<compile_context>
chip_gen: v7x
topology: tpu7x:2x2x1
jax: 0.10.2.dev20260603
libtpu: 0.0.44.dev20260713+nightly
codegen_flags: <defaults>
</compile_context>

<pallas_src>
import functools

import numpy as np
import jax
import jax.numpy as jnp
from jax import lax
from jax.experimental import pallas as pl
from jax.experimental.pallas import tpu as pltpu
from jax.experimental.pallas import tpu_sc as plsc

VOCAB = 100000
EMBED = 128
BATCH = 4096
CTX = 5
LANES = 16

_info = plsc.get_sparse_core_info()
NC, NS = _info.num_cores, _info.num_subcores
NW = NC * NS
BW = BATCH // NW


def _sc_kernel(target_hbm, context_t_hbm, ttab_hbm, ctab_hbm, out_hbm,
               idx_t, idx_c, word_rows, ctx_rows, out_v, sem):
    wid = lax.axis_index("s") * NC + lax.axis_index("c")
    base = wid * BW

    pltpu.sync_copy(target_hbm.at[pl.ds(base, BW)], idx_t)
    pltpu.sync_copy(context_t_hbm.at[:, pl.ds(base, BW)], idx_c)

    H = BW // 2
    halves = []
    for h in range(2):
        cps = [pltpu.async_copy(
            ttab_hbm.at[idx_t.at[pl.ds(h * H, H)]],
            word_rows.at[pl.ds(h * H, H)], sem)]
        for c in range(CTX):
            cps.append(pltpu.async_copy(
                ctab_hbm.at[idx_c.at[c, pl.ds(h * H, H)]],
                ctx_rows.at[c, pl.ds(h * H, H)], sem))
        halves.append(cps)

    lane = lax.iota(jnp.int32, LANES)
    store_mask = lane < CTX
    perms = [lane ^ m for m in (1, 2, 4, 8)]

    def hsum(v):
        for p in perms:
            v = v + jnp.take(v, p)
        return v

    for h in range(2):
        for cp in halves[h]:
            cp.wait()

        @plsc.parallel_loop(h * H, (h + 1) * H, unroll=1)
        def _row(b):
            w = [word_rows[b, pl.ds(i * LANES, LANES)]
                 for i in range(EMBED // LANES)]
            res = jnp.zeros((LANES,), jnp.float32)
            for c in range(CTX):
                acc = w[0] * ctx_rows[c, b, pl.ds(0, LANES)]
                for i in range(1, EMBED // LANES):
                    acc = acc + w[i] * ctx_rows[c, b, pl.ds(i * LANES, LANES)]
                res = jnp.where(lane == c, hsum(acc), res)
            plsc.store_scatter(out_v, [jnp.full((LANES,), b, jnp.int32), lane],
                               res, mask=store_mask)

    pltpu.sync_copy(out_v, out_hbm.at[pl.ds(base, BW), :])


@jax.jit
def kernel(target, context, target_table, context_table):
    context_t = context.T

    run = pl.kernel(
        _sc_kernel,
        mesh=plsc.VectorSubcoreMesh(core_axis_name="c", subcore_axis_name="s"),
        compiler_params=pltpu.CompilerParams(
            needs_layout_passes=False,
            disable_bounds_checks=True,
            skip_device_barrier=True,
        ),
        out_type=jax.ShapeDtypeStruct((BATCH, CTX), jnp.float32),
        scratch_types=[
            pltpu.VMEM((BW,), jnp.int32),
            pltpu.VMEM((CTX, BW), jnp.int32),
            pltpu.VMEM((BW, EMBED), jnp.float32),
            pltpu.VMEM((CTX, BW, EMBED), jnp.float32),
            pltpu.VMEM((BW, CTX), jnp.float32),
            pltpu.SemaphoreType.DMA,
        ],
    )
    return run(target, context_t, target_table, context_table)

# --- scband reference (transcript-rebuilt; emitter-appended) ---
"""Pipeline reference for scband-word2-vec-3332894622496 (READ-ONLY COPY).

The authoritative reference and input builder live on the scoring server;
editing this copy changes nothing except your own understanding.
"""

import jax, jax.numpy as jnp
import numpy as np

VOCAB = 100000
EMBED = 128
BATCH = 4096
CTX = 5  # num_ns + 1

def setup_inputs(seed: int = 0) -> dict:
    key = jax.random.key(seed)
    k1, k2, k3, k4 = jax.random.split(key, 4)
    target = jax.random.randint(k1, (BATCH,), 0, VOCAB, dtype=jnp.int64 if jax.config.jax_enable_x64 else jnp.int32).astype(jnp.int32)
    context = jax.random.randint(k2, (BATCH, CTX), 0, VOCAB, dtype=jnp.int64 if jax.config.jax_enable_x64 else jnp.int32).astype(jnp.int32)
    target_table = jax.random.normal(k3, (VOCAB, EMBED), dtype=jnp.float32) * 0.05
    context_table = jax.random.normal(k4, (VOCAB, EMBED), dtype=jnp.float32) * 0.05
    return {"target": target, "context": context, "target_table": target_table, "context_table": context_table}

def reference(target, context, target_table, context_table):
    # target: int[B], context: int[B, C]
    # Keras Embedding lookup -> jnp.take along axis 0
    word_emb = jnp.take(target_table, target, axis=0)           # [B, D]
    context_emb = jnp.take(context_table, context, axis=0)      # [B, C, D]
    # keras.layers.Dot(axes=(1, 2)) on ([B, D], [B, C, D]) -> [B, C]
    dots = jnp.einsum('bd,bcd->bc', word_emb, context_emb)      # [B, C]
    return dots

if __name__ == "__main__":
    import jax
    _d = setup_inputs()
    print(jax.jit(kernel)(*tuple(_d.values())))

</pallas_src>

<mosaic_0001>
#map = affine_map<(d0, d1) -> (0)>
#map1 = affine_map<(d0, d1) -> (0, 0)>
module attributes {stable_mosaic.version = 14 : i64} {
  func.func @_sc_kernel(%arg0: i32, %arg1: i32, %arg2: memref<4096xi32, #tpu.memory_space<hbm>>, %arg3: memref<5x4096xi32, #tpu.memory_space<hbm>>, %arg4: memref<100000x128xf32, #tpu.memory_space<hbm>>, %arg5: memref<100000x128xf32, #tpu.memory_space<hbm>>, %arg6: memref<4096x5xf32, #tpu.memory_space<hbm>>, %arg7: memref<128xi32, #tpu.memory_space<vmem>>, %arg8: memref<5x128xi32, #tpu.memory_space<vmem>>, %arg9: memref<128x128xf32, #tpu.memory_space<vmem>>, %arg10: memref<5x128x128xf32, #tpu.memory_space<vmem>>, %arg11: memref<128x5xf32, #tpu.memory_space<vmem>>, %arg12: memref<!tpu.dma_semaphore, #tpu.memory_space<semaphore_mem>>) attributes {dimension_semantics = [#tpu.dimension_semantics<core_parallel>, #tpu.dimension_semantics<subcore_parallel>], iteration_bounds = array<i64: 2, 16>, scalar_prefetch = 0 : i64, scratch_operands = 6 : i64, tpu.core_type = #tpu.core_type<sc_vector_subcore>, window_params = [{transform_indices = #map}, {transform_indices = #map1}, {transform_indices = #map1}, {transform_indices = #map1}, {transform_indices = #map1}]} {
    %mul3A = arith.constant 2 : i32
    %mul3A_0 = arith.muli %arg1, %mul3A : i32
    %add3A = arith.addi %mul3A_0, %arg0 : i32
    %mul3A_1 = arith.constant 128 : i32
    %mul3A_2 = arith.muli %add3A, %mul3A_1 : i32
    "tpu.region"() ({
      %run_scoped3A = tpu.sem_alloc : memref<!tpu.dma_semaphore, #tpu.memory_space<semaphore_mem>>
      %dma_start3A_291 = tpu.memref_slice %arg2[%mul3A_2] : memref<4096xi32, #tpu.memory_space<hbm>> -> memref<128xi32, #tpu.memory_space<hbm>>
      %dma_start3A_292 = tpu.memref_slice %arg2[%mul3A_2] : memref<4096xi32, #tpu.memory_space<hbm>> -> memref<128xi32, #tpu.memory_space<hbm>>
      tpu.enqueue_dma source(%dma_start3A_292 : memref<128xi32, #tpu.memory_space<hbm>>) target(%arg7 : memref<128xi32, #tpu.memory_space<vmem>>) target_semaphore(%run_scoped3A : memref<!tpu.dma_semaphore, #tpu.memory_space<semaphore_mem>>)
      %dma_wait3A_293 = tpu.memref_slice %arg2[%mul3A_2] : memref<4096xi32, #tpu.memory_space<hbm>> -> memref<128xi32, #tpu.memory_space<hbm>>
      %dma_wait3A_294 = tpu.memref_slice %arg2[%mul3A_2] : memref<4096xi32, #tpu.memory_space<hbm>> -> memref<128xi32, #tpu.memory_space<hbm>>
      tpu.wait_dma2 semaphore(%run_scoped3A : memref<!tpu.dma_semaphore, #tpu.memory_space<semaphore_mem>>) src(%dma_wait3A_294 : memref<128xi32, #tpu.memory_space<hbm>>) dst(%arg7 : memref<128xi32, #tpu.memory_space<vmem>>)
      tpu.yield
    }) : () -> ()
    "tpu.region"() ({
      %run_scoped3A = tpu.sem_alloc : memref<!tpu.dma_semaphore, #tpu.memory_space<semaphore_mem>>
      %dma_start3A_291 = arith.constant 0 : i32
      %dma_start3A_292 = tpu.memref_slice %arg3[%dma_start3A_291, %mul3A_2] : memref<5x4096xi32, #tpu.memory_space<hbm>> -> memref<5x128xi32, #tpu.memory_space<hbm>>
      %dma_start3A_293 = arith.constant 0 : i32
      %dma_start3A_294 = tpu.memref_slice %arg3[%dma_start3A_293, %mul3A_2] : memref<5x4096xi32, #tpu.memory_space<hbm>> -> memref<5x128xi32, #tpu.memory_space<hbm>>
      tpu.enqueue_dma source(%dma_start3A_294 : memref<5x128xi32, #tpu.memory_space<hbm>>) target(%arg8 : memref<5x128xi32, #tpu.memory_space<vmem>>) target_semaphore(%run_scoped3A : memref<!tpu.dma_semaphore, #tpu.memory_space<semaphore_mem>>)
      %dma_wait3A_295 = arith.constant 0 : i32
      %dma_wait3A_296 = tpu.memref_slice %arg3[%dma_wait3A_295, %mul3A_2] : memref<5x4096xi32, #tpu.memory_space<hbm>> -> memref<5x128xi32, #tpu.memory_space<hbm>>
      %dma_wait3A_297 = arith.constant 0 : i32
      %dma_wait3A_298 = tpu.memref_slice %arg3[%dma_wait3A_297, %mul3A_2] : memref<5x4096xi32, #tpu.memory_space<hbm>> -> memref<5x128xi32, #tpu.memory_space<hbm>>
      tpu.wait_dma2 semaphore(%run_scoped3A : memref<!tpu.dma_semaphore, #tpu.memory_space<semaphore_mem>>) src(%dma_wait3A_298 : memref<5x128xi32, #tpu.memory_space<hbm>>) dst(%arg8 : memref<5x128xi32, #tpu.memory_space<vmem>>)
      tpu.yield
    }) : () -> ()
    %dma_start3A = arith.constant 0 : i32
    %dma_start3A_3 = arith.constant 0 : i32
    %dma_start3A_4 = tpu.memref_slice %arg9[%dma_start3A, %dma_start3A_3] : memref<128x128xf32, #tpu.memory_space<vmem>> -> memref<64x128xf32, #tpu.memory_space<vmem>>
    %dma_start3A_5 = arith.constant 0 : i32
    %dma_start3A_6 = tpu.memref_slice %arg7[%dma_start3A_5] : memref<128xi32, #tpu.memory_space<vmem>> -> memref<64xi32, #tpu.memory_space<vmem>>
    %dma_start3A_7 = arith.constant 0 : i32
    %dma_start3A_8 = arith.constant 0 : i32
    %dma_start3A_9 = tpu.memref_slice %arg4[%dma_start3A_7, %dma_start3A_8] : memref<100000x128xf32, #tpu.memory_space<hbm>> -> memref<100000x128xf32, #tpu.memory_space<hbm>>
    tpu.enqueue_indirect_dma source(%dma_start3A_9 : memref<100000x128xf32, #tpu.memory_space<hbm>>) target(%dma_start3A_4 : memref<64x128xf32, #tpu.memory_space<vmem>>) offsets(%dma_start3A_6 : memref<64xi32, #tpu.memory_space<vmem>>) semaphore(%arg12 : memref<!tpu.dma_semaphore, #tpu.memory_space<semaphore_mem>>)
    %dma_start3A_10 = arith.constant 0 : i32
    %dma_start3A_11 = arith.constant 0 : i32
    %dma_start3A_12 = arith.constant 0 : i32
    %dma_start3A_13 = arith.constant 0 : i32
    %dma_start3A_14 = tpu.memref_slice %arg10[%dma_start3A_11, %dma_start3A_12, %dma_start3A_13] : memref<5x128x128xf32, #tpu.memory_space<vmem>> -> memref<1x64x128xf32, #tpu.memory_space<vmem>>
    %dma_start3A_15 = tpu.memref_squeeze %dma_start3A_14 : memref<1x64x128xf32, #tpu.memory_space<vmem>> -> memref<64x128xf32, #tpu.memory_space<vmem>>
    %dma_start3A_16 = arith.constant 0 : i32
    %dma_start3A_17 = tpu.memref_slice %arg8[%dma_start3A_10, %dma_start3A_16] : memref<5x128xi32, #tpu.memory_space<vmem>> -> memref<1x64xi32, #tpu.memory_space<vmem>>
    %dma_start3A_18 = tpu.memref_squeeze %dma_start3A_17 : memref<1x64xi32, #tpu.memory_space<vmem>> -> memref<64xi32, #tpu.memory_space<vmem>>
    %dma_start3A_19 = arith.constant 0 : i32
    %dma_start3A_20 = arith.constant 0 : i32
    %dma_start3A_21 = tpu.memref_slice %arg5[%dma_start3A_19, %dma_start3A_20] : memref<100000x128xf32, #tpu.memory_space<hbm>> -> memref<100000x128xf32, #tpu.memory_space<hbm>>
    tpu.enqueue_indirect_dma source(%dma_start3A_21 : memref<100000x128xf32, #tpu.memory_space<hbm>>) target(%dma_start3A_15 : memref<64x128xf32, #tpu.memory_space<vmem>>) offsets(%dma_start3A_18 : memref<64xi32, #tpu.memory_space<vmem>>) semaphore(%arg12 : memref<!tpu.dma_semaphore, #tpu.memory_space<semaphore_mem>>)
    %dma_start3A_22 = arith.constant 1 : i32
    %dma_start3A_23 = arith.constant 1 : i32
    %dma_start3A_24 = arith.constant 0 : i32
    %dma_start3A_25 = arith.constant 0 : i32
    %dma_start3A_26 = tpu.memref_slice %arg10[%dma_start3A_23, %dma_start3A_24, %dma_start3A_25] : memref<5x128x128xf32, #tpu.memory_space<vmem>> -> memref<1x64x128xf32, #tpu.memory_space<vmem>>
    %dma_start3A_27 = tpu.memref_squeeze %dma_start3A_26 : memref<1x64x128xf32, #tpu.memory_space<vmem>> -> memref<64x128xf32, #tpu.memory_space<vmem>>
    %dma_start3A_28 = arith.constant 0 : i32
    %dma_start3A_29 = tpu.memref_slice %arg8[%dma_start3A_22, %dma_start3A_28] : memref<5x128xi32, #tpu.memory_space<vmem>> -> memref<1x64xi32, #tpu.memory_space<vmem>>
    %dma_start3A_30 = tpu.memref_squeeze %dma_start3A_29 : memref<1x64xi32, #tpu.memory_space<vmem>> -> memref<64xi32, #tpu.memory_space<vmem>>
    %dma_start3A_31 = arith.constant 0 : i32
    %dma_start3A_32 = arith.constant 0 : i32
    %dma_start3A_33 = tpu.memref_slice %arg5[%dma_start3A_31, %dma_start3A_32] : memref<100000x128xf32, #tpu.memory_space<hbm>> -> memref<100000x128xf32, #tpu.memory_space<hbm>>
    tpu.enqueue_indirect_dma source(%dma_start3A_33 : memref<100000x128xf32, #tpu.memory_space<hbm>>) target(%dma_start3A_27 : memref<64x128xf32, #tpu.memory_space<vmem>>) offsets(%dma_start3A_30 : memref<64xi32, #tpu.memory_space<vmem>>) semaphore(%arg12 : memref<!tpu.dma_semaphore, #tpu.memory_space<semaphore_mem>>)
    %dma_start3A_34 = arith.constant 2 : i32
    %dma_start3A_35 = arith.constant 2 : i32
    %dma_start3A_36 = arith.constant 0 : i32
    %dma_start3A_37 = arith.constant 0 : i32
    %dma_start3A_38 = tpu.memref_slice %arg10[%dma_start3A_35, %dma_start3A_36, %dma_start3A_37] : memref<5x128x128xf32, #tpu.memory_space<vmem>> -> memref<1x64x128xf32, #tpu.memory_space<vmem>>
    %dma_start3A_39 = tpu.memref_squeeze %dma_start3A_38 : memref<1x64x128xf32, #tpu.memory_space<vmem>> -> memref<64x128xf32, #tpu.memory_space<vmem>>
    %dma_start3A_40 = arith.constant 0 : i32
    %dma_start3A_41 = tpu.memref_slice %arg8[%dma_start3A_34, %dma_start3A_40] : memref<5x128xi32, #tpu.memory_space<vmem>> -> memref<1x64xi32, #tpu.memory_space<vmem>>
    %dma_start3A_42 = tpu.memref_squeeze %dma_start3A_41 : memref<1x64xi32, #tpu.memory_space<vmem>> -> memref<64xi32, #tpu.memory_space<vmem>>
    %dma_start3A_43 = arith.constant 0 : i32
    %dma_start3A_44 = arith.constant 0 : i32
    %dma_start3A_45 = tpu.memref_slice %arg5[%dma_start3A_43, %dma_start3A_44] : memref<100000x128xf32, #tpu.memory_space<hbm>> -> memref<100000x128xf32, #tpu.memory_space<hbm>>
    tpu.enqueue_indirect_dma source(%dma_start3A_45 : memref<100000x128xf32, #tpu.memory_space<hbm>>) target(%dma_start3A_39 : memref<64x128xf32, #tpu.memory_space<vmem>>) offsets(%dma_start3A_42 : memref<64xi32, #tpu.memory_space<vmem>>) semaphore(%arg12 : memref<!tpu.dma_semaphore, #tpu.memory_space<semaphore_mem>>)
    %dma_start3A_46 = arith.constant 3 : i32
    %dma_start3A_47 = arith.constant 3 : i32
    %dma_start3A_48 = arith.constant 0 : i32
    %dma_start3A_49 = arith.constant 0 : i32
    %dma_start3A_50 = tpu.memref_slice %arg10[%dma_start3A_47, %dma_start3A_48, %dma_start3A_49] : memref<5x128x128xf32, #tpu.memory_space<vmem>> -> memref<1x64x128xf32, #tpu.memory_space<vmem>>
    %dma_start3A_51 = tpu.memref_squeeze %dma_start3A_50 : memref<1x64x128xf32, #tpu.memory_space<vmem>> -> memref<64x128xf32, #tpu.memory_space<vmem>>
    %dma_start3A_52 = arith.constant 0 : i32
    %dma_start3A_53 = tpu.memref_slice %arg8[%dma_start3A_46, %dma_start3A_52] : memref<5x128xi32, #tpu.memory_space<vmem>> -> memref<1x64xi32, #tpu.memory_space<vmem>>
    %dma_start3A_54 = tpu.memref_squeeze %dma_start3A_53 : memref<1x64xi32, #tpu.memory_space<vmem>> -> memref<64xi32, #tpu.memory_space<vmem>>
    %dma_start3A_55 = arith.constant 0 : i32
    %dma_start3A_56 = arith.constant 0 : i32
    %dma_start3A_57 = tpu.memref_slice %arg5[%dma_start3A_55, %dma_start3A_56] : memref<100000x128xf32, #tpu.memory_space<hbm>> -> memref<100000x128xf32, #tpu.memory_space<hbm>>
    tpu.enqueue_indirect_dma source(%dma_start3A_57 : memref<100000x128xf32, #tpu.memory_space<hbm>>) target(%dma_start3A_51 : memref<64x128xf32, #tpu.memory_space<vmem>>) offsets(%dma_start3A_54 : memref<64xi32, #tpu.memory_space<vmem>>) semaphore(%arg12 : memref<!tpu.dma_semaphore, #tpu.memory_space<semaphore_mem>>)
    %dma_start3A_58 = arith.constant 4 : i32
    %dma_start3A_59 = arith.constant 4 : i32
    %dma_start3A_60 = arith.constant 0 : i32
    %dma_start3A_61 = arith.constant 0 : i32
    %dma_start3A_62 = tpu.memref_slice %arg10[%dma_start3A_59, %dma_start3A_60, %dma_start3A_61] : memref<5x128x128xf32, #tpu.memory_space<vmem>> -> memref<1x64x128xf32, #tpu.memory_space<vmem>>
    %dma_start3A_63 = tpu.memref_squeeze %dma_start3A_62 : memref<1x64x128xf32, #tpu.memory_space<vmem>> -> memref<64x128xf32, #tpu.memory_space<vmem>>
    %dma_start3A_64 = arith.constant 0 : i32
    %dma_start3A_65 = tpu.memref_slice %arg8[%dma_start3A_58, %dma_start3A_64] : memref<5x128xi32, #tpu.memory_space<vmem>> -> memref<1x64xi32, #tpu.memory_space<vmem>>
    %dma_start3A_66 = tpu.memref_squeeze %dma_start3A_65 : memref<1x64xi32, #tpu.memory_space<vmem>> -> memref<64xi32, #tpu.memory_space<vmem>>
    %dma_start3A_67 = arith.constant 0 : i32
    %dma_start3A_68 = arith.constant 0 : i32
    %dma_start3A_69 = tpu.memref_slice %arg5[%dma_start3A_67, %dma_start3A_68] : memref<100000x128xf32, #tpu.memory_space<hbm>> -> memref<100000x128xf32, #tpu.memory_space<hbm>>
    tpu.enqueue_indirect_dma source(%dma_start3A_69 : memref<100000x128xf32, #tpu.memory_space<hbm>>) target(%dma_start3A_63 : memref<64x128xf32, #tpu.memory_space<vmem>>) offsets(%dma_start3A_66 : memref<64xi32, #tpu.memory_space<vmem>>) semaphore(%arg12 : memref<!tpu.dma_semaphore, #tpu.memory_space<semaphore_mem>>)
    %dma_start3A_70 = arith.constant 64 : i32
    %dma_start3A_71 = arith.constant 0 : i32
    %dma_start3A_72 = tpu.memref_slice %arg9[%dma_start3A_70, %dma_start3A_71] : memref<128x128xf32, #tpu.memory_space<vmem>> -> memref<64x128xf32, #tpu.memory_space<vmem>>
    %dma_start3A_73 = arith.constant 64 : i32
    %dma_start3A_74 = tpu.memref_slice %arg7[%dma_start3A_73] : memref<128xi32, #tpu.memory_space<vmem>> -> memref<64xi32, #tpu.memory_space<vmem>>
    %dma_start3A_75 = arith.constant 0 : i32
    %dma_start3A_76 = arith.constant 0 : i32
    %dma_start3A_77 = tpu.memref_slice %arg4[%dma_start3A_75, %dma_start3A_76] : memref<100000x128xf32, #tpu.memory_space<hbm>> -> memref<100000x128xf32, #tpu.memory_space<hbm>>
    tpu.enqueue_indirect_dma source(%dma_start3A_77 : memref<100000x128xf32, #tpu.memory_space<hbm>>) target(%dma_start3A_72 : memref<64x128xf32, #tpu.memory_space<vmem>>) offsets(%dma_start3A_74 : memref<64xi32, #tpu.memory_space<vmem>>) semaphore(%arg12 : memref<!tpu.dma_semaphore, #tpu.memory_space<semaphore_mem>>)
    %dma_start3A_78 = arith.constant 0 : i32
    %dma_start3A_79 = arith.constant 0 : i32
    %dma_start3A_80 = arith.constant 64 : i32
    %dma_start3A_81 = arith.constant 0 : i32
    %dma_start3A_82 = tpu.memref_slice %arg10[%dma_start3A_79, %dma_start3A_80, %dma_start3A_81] : memref<5x128x128xf32, #tpu.memory_space<vmem>> -> memref<1x64x128xf32, #tpu.memory_space<vmem>>
    %dma_start3A_83 = tpu.memref_squeeze %dma_start3A_82 : memref<1x64x128xf32, #tpu.memory_space<vmem>> -> memref<64x128xf32, #tpu.memory_space<vmem>>
    %dma_start3A_84 = arith.constant 64 : i32
    %dma_start3A_85 = tpu.memref_slice %arg8[%dma_start3A_78, %dma_start3A_84] : memref<5x128xi32, #tpu.memory_space<vmem>> -> memref<1x64xi32, #tpu.memory_space<vmem>>
    %dma_start3A_86 = tpu.memref_squeeze %dma_start3A_85 : memref<1x64xi32, #tpu.memory_space<vmem>> -> memref<64xi32, #tpu.memory_space<vmem>>
    %dma_start3A_87 = arith.constant 0 : i32
    %dma_start3A_88 = arith.constant 0 : i32
    %dma_start3A_89 = tpu.memref_slice %arg5[%dma_start3A_87, %dma_start3A_88] : memref<100000x128xf32, #tpu.memory_space<hbm>> -> memref<100000x128xf32, #tpu.memory_space<hbm>>
    tpu.enqueue_indirect_dma source(%dma_start3A_89 : memref<100000x128xf32, #tpu.memory_space<hbm>>) target(%dma_start3A_83 : memref<64x128xf32, #tpu.memory_space<vmem>>) offsets(%dma_start3A_86 : memref<64xi32, #tpu.memory_space<vmem>>) semaphore(%arg12 : memref<!tpu.dma_semaphore, #tpu.memory_space<semaphore_mem>>)
    %dma_start3A_90 = arith.constant 1 : i32
    %dma_start3A_91 = arith.constant 1 : i32
    %dma_start3A_92 = arith.constant 64 : i32
    %dma_start3A_93 = arith.constant 0 : i32
    %dma_start3A_94 = tpu.memref_slice %arg10[%dma_start3A_91, %dma_start3A_92, %dma_start3A_93] : memref<5x128x128xf32, #tpu.memory_space<vmem>> -> memref<1x64x128xf32, #tpu.memory_space<vmem>>
    %dma_start3A_95 = tpu.memref_squeeze %dma_start3A_94 : memref<1x64x128xf32, #tpu.memory_space<vmem>> -> memref<64x128xf32, #tpu.memory_space<vmem>>
    %dma_start3A_96 = arith.constant 64 : i32
    %dma_start3A_97 = tpu.memref_slice %arg8[%dma_start3A_90, %dma_start3A_96] : memref<5x128xi32, #tpu.memory_space<vmem>> -> memref<1x64xi32, #tpu.memory_space<vmem>>
    %dma_start3A_98 = tpu.memref_squeeze %dma_start3A_97 : memref<1x64xi32, #tpu.memory_space<vmem>> -> memref<64xi32, #tpu.memory_space<vmem>>
    %dma_start3A_99 = arith.constant 0 : i32
    %dma_start3A_100 = arith.constant 0 : i32
    %dma_start3A_101 = tpu.memref_slice %arg5[%dma_start3A_99, %dma_start3A_100] : memref<100000x128xf32, #tpu.memory_space<hbm>> -> memref<100000x128xf32, #tpu.memory_space<hbm>>
    tpu.enqueue_indirect_dma source(%dma_start3A_101 : memref<100000x128xf32, #tpu.memory_space<hbm>>) target(%dma_start3A_95 : memref<64x128xf32, #tpu.memory_space<vmem>>) offsets(%dma_start3A_98 : memref<64xi32, #tpu.memory_space<vmem>>) semaphore(%arg12 : memref<!tpu.dma_semaphore, #tpu.memory_space<semaphore_mem>>)
    %dma_start3A_102 = arith.constant 2 : i32
    %dma_start3A_103 = arith.constant 2 : i32
    %dma_start3A_104 = arith.constant 64 : i32
    %dma_start3A_105 = arith.constant 0 : i32
    %dma_start3A_106 = tpu.memref_slice %arg10[%dma_start3A_103, %dma_start3A_104, %dma_start3A_105] : memref<5x128x128xf32, #tpu.memory_space<vmem>> -> memref<1x64x128xf32, #tpu.memory_space<vmem>>
    %dma_start3A_107 = tpu.memref_squeeze %dma_start3A_106 : memref<1x64x128xf32, #tpu.memory_space<vmem>> -> memref<64x128xf32, #tpu.memory_space<vmem>>
    %dma_start3A_108 = arith.constant 64 : i32
    %dma_start3A_109 = tpu.memref_slice %arg8[%dma_start3A_102, %dma_start3A_108] : memref<5x128xi32, #tpu.memory_space<vmem>> -> memref<1x64xi32, #tpu.memory_space<vmem>>
    %dma_start3A_110 = tpu.memref_squeeze %dma_start3A_109 : memref<1x64xi32, #tpu.memory_space<vmem>> -> memref<64xi32, #tpu.memory_space<vmem>>
    %dma_start3A_111 = arith.constant 0 : i32
    %dma_start3A_112 = arith.constant 0 : i32
    %dma_start3A_113 = tpu.memref_slice %arg5[%dma_start3A_111, %dma_start3A_112] : memref<100000x128xf32, #tpu.memory_space<hbm>> -> memref<100000x128xf32, #tpu.memory_space<hbm>>
    tpu.enqueue_indirect_dma source(%dma_start3A_113 : memref<100000x128xf32, #tpu.memory_space<hbm>>) target(%dma_start3A_107 : memref<64x128xf32, #tpu.memory_space<vmem>>) offsets(%dma_start3A_110 : memref<64xi32, #tpu.memory_space<vmem>>) semaphore(%arg12 : memref<!tpu.dma_semaphore, #tpu.memory_space<semaphore_mem>>)
    %dma_start3A_114 = arith.constant 3 : i32
    %dma_start3A_115 = arith.constant 3 : i32
    %dma_start3A_116 = arith.constant 64 : i32
    %dma_start3A_117 = arith.constant 0 : i32
    %dma_start3A_118 = tpu.memref_slice %arg10[%dma_start3A_115, %dma_start3A_116, %dma_start3A_117] : memref<5x128x128xf32, #tpu.memory_space<vmem>> -> memref<1x64x128xf32, #tpu.memory_space<vmem>>
    %dma_start3A_119 = tpu.memref_squeeze %dma_start3A_118 : memref<1x64x128xf32, #tpu.memory_space<vmem>> -> memref<64x128xf32, #tpu.memory_space<vmem>>
    %dma_start3A_120 = arith.constant 64 : i32
    %dma_start3A_121 = tpu.memref_slice %arg8[%dma_start3A_114, %dma_start3A_120] : memref<5x128xi32, #tpu.memory_space<vmem>> -> memref<1x64xi32, #tpu.memory_space<vmem>>
    %dma_start3A_122 = tpu.memref_squeeze %dma_start3A_121 : memref<1x64xi32, #tpu.memory_space<vmem>> -> memref<64xi32, #tpu.memory_space<vmem>>
    %dma_start3A_123 = arith.constant 0 : i32
    %dma_start3A_124 = arith.constant 0 : i32
    %dma_start3A_125 = tpu.memref_slice %arg5[%dma_start3A_123, %dma_start3A_124] : memref<100000x128xf32, #tpu.memory_space<hbm>> -> memref<100000x128xf32, #tpu.memory_space<hbm>>
    tpu.enqueue_indirect_dma source(%dma_start3A_125 : memref<100000x128xf32, #tpu.memory_space<hbm>>) target(%dma_start3A_119 : memref<64x128xf32, #tpu.memory_space<vmem>>) offsets(%dma_start3A_122 : memref<64xi32, #tpu.memory_space<vmem>>) semaphore(%arg12 : memref<!tpu.dma_semaphore, #tpu.memory_space<semaphore_mem>>)
    %dma_start3A_126 = arith.constant 4 : i32
    %dma_start3A_127 = arith.constant 4 : i32
    %dma_start3A_128 = arith.constant 64 : i32
    %dma_start3A_129 = arith.constant 0 : i32
    %dma_start3A_130 = tpu.memref_slice %arg10[%dma_start3A_127, %dma_start3A_128, %dma_start3A_129] : memref<5x128x128xf32, #tpu.memory_space<vmem>> -> memref<1x64x128xf32, #tpu.memory_space<vmem>>
    %dma_start3A_131 = tpu.memref_squeeze %dma_start3A_130 : memref<1x64x128xf32, #tpu.memory_space<vmem>> -> memref<64x128xf32, #tpu.memory_space<vmem>>
    %dma_start3A_132 = arith.constant 64 : i32
    %dma_start3A_133 = tpu.memref_slice %arg8[%dma_start3A_126, %dma_start3A_132] : memref<5x128xi32, #tpu.memory_space<vmem>> -> memref<1x64xi32, #tpu.memory_space<vmem>>
    %dma_start3A_134 = tpu.memref_squeeze %dma_start3A_133 : memref<1x64xi32, #tpu.memory_space<vmem>> -> memref<64xi32, #tpu.memory_space<vmem>>
    %dma_start3A_135 = arith.constant 0 : i32
    %dma_start3A_136 = arith.constant 0 : i32
    %dma_start3A_137 = tpu.memref_slice %arg5[%dma_start3A_135, %dma_start3A_136] : memref<100000x128xf32, #tpu.memory_space<hbm>> -> memref<100000x128xf32, #tpu.memory_space<hbm>>
    tpu.enqueue_indirect_dma source(%dma_start3A_137 : memref<100000x128xf32, #tpu.memory_space<hbm>>) target(%dma_start3A_131 : memref<64x128xf32, #tpu.memory_space<vmem>>) offsets(%dma_start3A_134 : memref<64xi32, #tpu.memory_space<vmem>>) semaphore(%arg12 : memref<!tpu.dma_semaphore, #tpu.memory_space<semaphore_mem>>)
    %iota3A = tpu.iota {dimensions = array<i32: 0>} : vector<16xi32>
    %lt3A = arith.constant 5 : i32
    %lt3A_138 = vector.broadcast %lt3A : i32 to vector<16xi32>
    %lt3A_139 = arith.cmpi slt, %iota3A, %lt3A_138 : vector<16xi32>
    %xor3A = arith.constant 1 : i32
    %xor3A_140 = vector.broadcast %xor3A : i32 to vector<16xi32>
    %xor3A_141 = arith.xori %iota3A, %xor3A_140 : vector<16xi32>
    %xor3A_142 = arith.constant 2 : i32
    %xor3A_143 = vector.broadcast %xor3A_142 : i32 to vector<16xi32>
    %xor3A_144 = arith.xori %iota3A, %xor3A_143 : vector<16xi32>
    %xor3A_145 = arith.constant 4 : i32
    %xor3A_146 = vector.broadcast %xor3A_145 : i32 to vector<16xi32>
    %xor3A_147 = arith.xori %iota3A, %xor3A_146 : vector<16xi32>
    %xor3A_148 = arith.constant 8 : i32
    %xor3A_149 = vector.broadcast %xor3A_148 : i32 to vector<16xi32>
    %xor3A_150 = arith.xori %iota3A, %xor3A_149 : vector<16xi32>
    %dma_wait3A = arith.constant 0 : i32
    %dma_wait3A_151 = arith.constant 0 : i32
    %dma_wait3A_152 = tpu.memref_slice %arg9[%dma_wait3A, %dma_wait3A_151] : memref<128x128xf32, #tpu.memory_space<vmem>> -> memref<64x128xf32, #tpu.memory_space<vmem>>
    %dma_wait3A_153 = arith.constant 0 : i32
    %dma_wait3A_154 = tpu.memref_slice %arg7[%dma_wait3A_153] : memref<128xi32, #tpu.memory_space<vmem>> -> memref<64xi32, #tpu.memory_space<vmem>>
    %dma_wait3A_155 = arith.constant 0 : i32
    %dma_wait3A_156 = arith.constant 0 : i32
    %dma_wait3A_157 = tpu.memref_slice %arg4[%dma_wait3A_155, %dma_wait3A_156] : memref<100000x128xf32, #tpu.memory_space<hbm>> -> memref<100000x128xf32, #tpu.memory_space<hbm>>
    tpu.wait_indirect_dma semaphore(%arg12 : memref<!tpu.dma_semaphore, #tpu.memory_space<semaphore_mem>>) src(%dma_wait3A_157 : memref<100000x128xf32, #tpu.memory_space<hbm>>) dst(%dma_wait3A_152 : memref<64x128xf32, #tpu.memory_space<vmem>>)
    %dma_wait3A_158 = arith.constant 0 : i32
    %dma_wait3A_159 = arith.constant 0 : i32
    %dma_wait3A_160 = arith.constant 0 : i32
    %dma_wait3A_161 = arith.constant 0 : i32
    %dma_wait3A_162 = tpu.memref_slice %arg10[%dma_wait3A_159, %dma_wait3A_160, %dma_wait3A_161] : memref<5x128x128xf32, #tpu.memory_space<vmem>> -> memref<1x64x128xf32, #tpu.memory_space<vmem>>
    %dma_wait3A_163 = tpu.memref_squeeze %dma_wait3A_162 : memref<1x64x128xf32, #tpu.memory_space<vmem>> -> memref<64x128xf32, #tpu.memory_space<vmem>>
    %dma_wait3A_164 = arith.constant 0 : i32
    %dma_wait3A_165 = tpu.memref_slice %arg8[%dma_wait3A_158, %dma_wait3A_164] : memref<5x128xi32, #tpu.memory_space<vmem>> -> memref<1x64xi32, #tpu.memory_space<vmem>>
    %dma_wait3A_166 = tpu.memref_squeeze %dma_wait3A_165 : memref<1x64xi32, #tpu.memory_space<vmem>> -> memref<64xi32, #tpu.memory_space<vmem>>
    %dma_wait3A_167 = arith.constant 0 : i32
    %dma_wait3A_168 = arith.constant 0 : i32
    %dma_wait3A_169 = tpu.memref_slice %arg5[%dma_wait3A_167, %dma_wait3A_168] : memref<100000x128xf32, #tpu.memory_space<hbm>> -> memref<100000x128xf32, #tpu.memory_space<hbm>>
    tpu.wait_indirect_dma semaphore(%arg12 : memref<!tpu.dma_semaphore, #tpu.memory_space<semaphore_mem>>) src(%dma_wait3A_169 : memref<100000x128xf32, #tpu.memory_space<hbm>>) dst(%dma_wait3A_163 : memref<64x128xf32, #tpu.memory_space<vmem>>)
    %dma_wait3A_170 = arith.constant 1 : i32
    %dma_wait3A_171 = arith.constant 1 : i32
    %dma_wait3A_172 = arith.constant 0 : i32
    %dma_wait3A_173 = arith.constant 0 : i32
    %dma_wait3A_174 = tpu.memref_slice %arg10[%dma_wait3A_171, %dma_wait3A_172, %dma_wait3A_173] : memref<5x128x128xf32, #tpu.memory_space<vmem>> -> memref<1x64x128xf32, #tpu.memory_space<vmem>>
    %dma_wait3A_175 = tpu.memref_squeeze %dma_wait3A_174 : memref<1x64x128xf32, #tpu.memory_space<vmem>> -> memref<64x128xf32, #tpu.memory_space<vmem>>
    %dma_wait3A_176 = arith.constant 0 : i32
    %dma_wait3A_177 = tpu.memref_slice %arg8[%dma_wait3A_170, %dma_wait3A_176] : memref<5x128xi32, #tpu.memory_space<vmem>> -> memref<1x64xi32, #tpu.memory_space<vmem>>
    %dma_wait3A_178 = tpu.memref_squeeze %dma_wait3A_177 : memref<1x64xi32, #tpu.memory_space<vmem>> -> memref<64xi32, #tpu.memory_space<vmem>>
    %dma_wait3A_179 = arith.constant 0 : i32
    %dma_wait3A_180 = arith.constant 0 : i32
    %dma_wait3A_181 = tpu.memref_slice %arg5[%dma_wait3A_179, %dma_wait3A_180] : memref<100000x128xf32, #tpu.memory_space<hbm>> -> memref<100000x128xf32, #tpu.memory_space<hbm>>
    tpu.wait_indirect_dma semaphore(%arg12 : memref<!tpu.dma_semaphore, #tpu.memory_space<semaphore_mem>>) src(%dma_wait3A_181 : memref<100000x128xf32, #tpu.memory_space<hbm>>) dst(%dma_wait3A_175 : memref<64x128xf32, #tpu.memory_space<vmem>>)
    %dma_wait3A_182 = arith.constant 2 : i32
    %dma_wait3A_183 = arith.constant 2 : i32
    %dma_wait3A_184 = arith.constant 0 : i32
    %dma_wait3A_185 = arith.constant 0 : i32
    %dma_wait3A_186 = tpu.memref_slice %arg10[%dma_wait3A_183, %dma_wait3A_184, %dma_wait3A_185] : memref<5x128x128xf32, #tpu.memory_space<vmem>> -> memref<1x64x128xf32, #tpu.memory_space<vmem>>
    %dma_wait3A_187 = tpu.memref_squeeze %dma_wait3A_186 : memref<1x64x128xf32, #tpu.memory_space<vmem>> -> memref<64x128xf32, #tpu.memory_space<vmem>>
    %dma_wait3A_188 = arith.constant 0 : i32
    %dma_wait3A_189 = tpu.memref_slice %arg8[%dma_wait3A_182, %dma_wait3A_188] : memref<5x128xi32, #tpu.memory_space<vmem>> -> memref<1x64xi32, #tpu.memory_space<vmem>>
    %dma_wait3A_190 = tpu.memref_squeeze %dma_wait3A_189 : memref<1x64xi32, #tpu.memory_space<vmem>> -> memref<64xi32, #tpu.memory_space<vmem>>
    %dma_wait3A_191 = arith.constant 0 : i32
    %dma_wait3A_192 = arith.constant 0 : i32
    %dma_wait3A_193 = tpu.memref_slice %arg5[%dma_wait3A_191, %dma_wait3A_192] : memref<100000x128xf32, #tpu.memory_space<hbm>> -> memref<100000x128xf32, #tpu.memory_space<hbm>>
    tpu.wait_indirect_dma semaphore(%arg12 : memref<!tpu.dma_semaphore, #tpu.memory_space<semaphore_mem>>) src(%dma_wait3A_193 : memref<100000x128xf32, #tpu.memory_space<hbm>>) dst(%dma_wait3A_187 : memref<64x128xf32, #tpu.memory_space<vmem>>)
    %dma_wait3A_194 = arith.constant 3 : i32
    %dma_wait3A_195 = arith.constant 3 : i32
    %dma_wait3A_196 = arith.constant 0 : i32
    %dma_wait3A_197 = arith.constant 0 : i32
    %dma_wait3A_198 = tpu.memref_slice %arg10[%dma_wait3A_195, %dma_wait3A_196, %dma_wait3A_197] : memref<5x128x128xf32, #tpu.memory_space<vmem>> -> memref<1x64x128xf32, #tpu.memory_space<vmem>>
    %dma_wait3A_199 = tpu.memref_squeeze %dma_wait3A_198 : memref<1x64x128xf32, #tpu.memory_space<vmem>> -> memref<64x128xf32, #tpu.memory_space<vmem>>
    %dma_wait3A_200 = arith.constant 0 : i32
    %dma_wait3A_201 = tpu.memref_slice %arg8[%dma_wait3A_194, %dma_wait3A_200] : memref<5x128xi32, #tpu.memory_space<vmem>> -> memref<1x64xi32, #tpu.memory_space<vmem>>
    %dma_wait3A_202 = tpu.memref_squeeze %dma_wait3A_201 : memref<1x64xi32, #tpu.memory_space<vmem>> -> memref<64xi32, #tpu.memory_space<vmem>>
    %dma_wait3A_203 = arith.constant 0 : i32
    %dma_wait3A_204 = arith.constant 0 : i32
    %dma_wait3A_205 = tpu.memref_slice %arg5[%dma_wait3A_203, %dma_wait3A_204] : memref<100000x128xf32, #tpu.memory_space<hbm>> -> memref<100000x128xf32, #tpu.memory_space<hbm>>
    tpu.wait_indirect_dma semaphore(%arg12 : memref<!tpu.dma_semaphore, #tpu.memory_space<semaphore_mem>>) src(%dma_wait3A_205 : memref<100000x128xf32, #tpu.memory_space<hbm>>) dst(%dma_wait3A_199 : memref<64x128xf32, #tpu.memory_space<vmem>>)
    %dma_wait3A_206 = arith.constant 4 : i32
    %dma_wait3A_207 = arith.constant 4 : i32
    %dma_wait3A_208 = arith.constant 0 : i32
    %dma_wait3A_209 = arith.constant 0 : i32
    %dma_wait3A_210 = tpu.memref_slice %arg10[%dma_wait3A_207, %dma_wait3A_208, %dma_wait3A_209] : memref<5x128x128xf32, #tpu.memory_space<vmem>> -> memref<1x64x128xf32, #tpu.memory_space<vmem>>
    %dma_wait3A_211 = tpu.memref_squeeze %dma_wait3A_210 : memref<1x64x128xf32, #tpu.memory_space<vmem>> -> memref<64x128xf32, #tpu.memory_space<vmem>>
    %dma_wait3A_212 = arith.constant 0 : i32
    %dma_wait3A_213 = tpu.memref_slice %arg8[%dma_wait3A_206, %dma_wait3A_212] : memref<5x128xi32, #tpu.memory_space<vmem>> -> memref<1x64xi32, #tpu.memory_space<vmem>>
    %dma_wait3A_214 = tpu.memref_squeeze %dma_wait3A_213 : memref<1x64xi32, #tpu.memory_space<vmem>> -> memref<64xi32, #tpu.memory_space<vmem>>
    %dma_wait3A_215 = arith.constant 0 : i32
    %dma_wait3A_216 = arith.constant 0 : i32
    %dma_wait3A_217 = tpu.memref_slice %arg5[%dma_wait3A_215, %dma_wait3A_216] : memref<100000x128xf32, #tpu.memory_space<hbm>> -> memref<100000x128xf32, #tpu.memory_space<hbm>>
    tpu.wait_indirect_dma semaphore(%arg12 : memref<!tpu.dma_semaphore, #tpu.memory_space<semaphore_mem>>) src(%dma_wait3A_217 : memref<100000x128xf32, #tpu.memory_space<hbm>>) dst(%dma_wait3A_211 : memref<64x128xf32, #tpu.memory_space<vmem>>)
    %parallel_loop3A = arith.constant 0 : i32
    %parallel_loop3A_218 = arith.constant 64 : i32
    %parallel_loop3A_219 = arith.constant 1 : i32
    scf.for %parallel_loop3A_291 = %parallel_loop3A to %parallel_loop3A_218 step %parallel_loop3A_219  : i32 {
      %parallel_loop3A_292 = arith.index_cast %parallel_loop3A_291 : i32 to index
      %parallel_loop3A_293 = arith.constant 0 : index
      %parallel_loop3A_294 = tpu.vector_load %arg9[%parallel_loop3A_292, %parallel_loop3A_293] {strides = array<i32>} : memref<128x128xf32, #tpu.memory_space<vmem>>, vector<16xf32>,
      %parallel_loop3A_295 = arith.index_cast %parallel_loop3A_291 : i32 to index
      %parallel_loop3A_296 = arith.constant 16 : index
      %parallel_loop3A_297 = tpu.vector_load %arg9[%parallel_loop3A_295, %parallel_loop3A_296] {strides = array<i32>} : memref<128x128xf32, #tpu.memory_space<vmem>>, vector<16xf32>,
      %parallel_loop3A_298 = arith.index_cast %parallel_loop3A_291 : i32 to index
      %parallel_loop3A_299 = arith.constant 32 : index
      %parallel_loop3A_300 = tpu.vector_load %arg9[%parallel_loop3A_298, %parallel_loop3A_299] {strides = array<i32>} : memref<128x128xf32, #tpu.memory_space<vmem>>, vector<16xf32>,
      %parallel_loop3A_301 = arith.index_cast %parallel_loop3A_291 : i32 to index
      %parallel_loop3A_302 = arith.constant 48 : index
      %parallel_loop3A_303 = tpu.vector_load %arg9[%parallel_loop3A_301, %parallel_loop3A_302] {strides = array<i32>} : memref<128x128xf32, #tpu.memory_space<vmem>>, vector<16xf32>,
      %parallel_loop3A_304 = arith.index_cast %parallel_loop3A_291 : i32 to index
      %parallel_loop3A_305 = arith.constant 64 : index
      %parallel_loop3A_306 = tpu.vector_load %arg9[%parallel_loop3A_304, %parallel_loop3A_305] {strides = array<i32>} : memref<128x128xf32, #tpu.memory_space<vmem>>, vector<16xf32>,
      %parallel_loop3A_307 = arith.index_cast %parallel_loop3A_291 : i32 to index
      %parallel_loop3A_308 = arith.constant 80 : index
      %parallel_loop3A_309 = tpu.vector_load %arg9[%parallel_loop3A_307, %parallel_loop3A_308] {strides = array<i32>} : memref<128x128xf32, #tpu.memory_space<vmem>>, vector<16xf32>,
      %parallel_loop3A_310 = arith.index_cast %parallel_loop3A_291 : i32 to index
      %parallel_loop3A_311 = arith.constant 96 : index
      %parallel_loop3A_312 = tpu.vector_load %arg9[%parallel_loop3A_310, %parallel_loop3A_311] {strides = array<i32>} : memref<128x128xf32, #tpu.memory_space<vmem>>, vector<16xf32>,
      %parallel_loop3A_313 = arith.index_cast %parallel_loop3A_291 : i32 to index
      %parallel_loop3A_314 = arith.constant 112 : index
      %parallel_loop3A_315 = tpu.vector_load %arg9[%parallel_loop3A_313, %parallel_loop3A_314] {strides = array<i32>} : memref<128x128xf32, #tpu.memory_space<vmem>>, vector<16xf32>,
      %parallel_loop3A_316 = arith.constant 0.000000e+00 : f32
      %parallel_loop3A_317 = vector.broadcast %parallel_loop3A_316 : f32 to vector<16xf32>
      %parallel_loop3A_318 = arith.constant 0 : i32
      %parallel_loop3A_319 = arith.index_cast %parallel_loop3A_318 : i32 to index
      %parallel_loop3A_320 = arith.index_cast %parallel_loop3A_291 : i32 to index
      %parallel_loop3A_321 = arith.constant 0 : index
      %parallel_loop3A_322 = tpu.vector_load %arg10[%parallel_loop3A_319, %parallel_loop3A_320, %parallel_loop3A_321] {strides = array<i32>} : memref<5x128x128xf32, #tpu.memory_space<vmem>>, vector<16xf32>,
      %parallel_loop3A_323 = arith.mulf %parallel_loop3A_294, %parallel_loop3A_322 : vector<16xf32>
      %parallel_loop3A_324 = arith.constant 0 : i32
      %parallel_loop3A_325 = arith.index_cast %parallel_loop3A_324 : i32 to index
      %parallel_loop3A_326 = arith.index_cast %parallel_loop3A_291 : i32 to index
      %parallel_loop3A_327 = arith.constant 16 : index
      %parallel_loop3A_328 = tpu.vector_load %arg10[%parallel_loop3A_325, %parallel_loop3A_326, %parallel_loop3A_327] {strides = array<i32>} : memref<5x128x128xf32, #tpu.memory_space<vmem>>, vector<16xf32>,
      %parallel_loop3A_329 = arith.mulf %parallel_loop3A_297, %parallel_loop3A_328 : vector<16xf32>
      %parallel_loop3A_330 = arith.addf %parallel_loop3A_323, %parallel_loop3A_329 : vector<16xf32>
      %parallel_loop3A_331 = arith.constant 0 : i32
      %parallel_loop3A_332 = arith.index_cast %parallel_loop3A_331 : i32 to index
      %parallel_loop3A_333 = arith.index_cast %parallel_loop3A_291 : i32 to index
      %parallel_loop3A_334 = arith.constant 32 : index
      %parallel_loop3A_335 = tpu.vector_load %arg10[%parallel_loop3A_332, %parallel_loop3A_333, %parallel_loop3A_334] {strides = array<i32>} : memref<5x128x128xf32, #tpu.memory_space<vmem>>, vector<16xf32>,
      %parallel_loop3A_336 = arith.mulf %parallel_loop3A_300, %parallel_loop3A_335 : vector<16xf32>
      %parallel_loop3A_337 = arith.addf %parallel_loop3A_330, %parallel_loop3A_336 : vector<16xf32>
      %parallel_loop3A_338 = arith.constant 0 : i32
      %parallel_loop3A_339 = arith.index_cast %parallel_loop3A_338 : i32 to index
      %parallel_loop3A_340 = arith.index_cast %parallel_loop3A_291 : i32 to index
      %parallel_loop3A_341 = arith.constant 48 : index
      %parallel_loop3A_342 = tpu.vector_load %arg10[%parallel_loop3A_339, %parallel_loop3A_340, %parallel_loop3A_341] {strides = array<i32>} : memref<5x128x128xf32, #tpu.memory_space<vmem>>, vector<16xf32>,
      %parallel_loop3A_343 = arith.mulf %parallel_loop3A_303, %parallel_loop3A_342 : vector<16xf32>
      %parallel_loop3A_344 = arith.addf %parallel_loop3A_337, %parallel_loop3A_343 : vector<16xf32>
      %parallel_loop3A_345 = arith.constant 0 : i32
      %parallel_loop3A_346 = arith.index_cast %parallel_loop3A_345 : i32 to index
      %parallel_loop3A_347 = arith.index_cast %parallel_loop3A_291 : i32 to index
      %parallel_loop3A_348 = arith.constant 64 : index
      %parallel_loop3A_349 = tpu.vector_load %arg10[%parallel_loop3A_346, %parallel_loop3A_347, %parallel_loop3A_348] {strides = array<i32>} : memref<5x128x128xf32, #tpu.memory_space<vmem>>, vector<16xf32>,
      %parallel_loop3A_350 = arith.mulf %parallel_loop3A_306, %parallel_loop3A_349 : vector<16xf32>
      %parallel_loop3A_351 = arith.addf %parallel_loop3A_344, %parallel_loop3A_350 : vector<16xf32>
      %parallel_loop3A_352 = arith.constant 0 : i32
      %parallel_loop3A_353 = arith.index_cast %parallel_loop3A_352 : i32 to index
      %parallel_loop3A_354 = arith.index_cast %parallel_loop3A_291 : i32 to index
      %parallel_loop3A_355 = arith.constant 80 : index
      %parallel_loop3A_356 = tpu.vector_load %arg10[%parallel_loop3A_353, %parallel_loop3A_354, %parallel_loop3A_355] {strides = array<i32>} : memref<5x128x128xf32, #tpu.memory_space<vmem>>, vector<16xf32>,
      %parallel_loop3A_357 = arith.mulf %parallel_loop3A_309, %parallel_loop3A_356 : vector<16xf32>
      %parallel_loop3A_358 = arith.addf %parallel_loop3A_351, %parallel_loop3A_357 : vector<16xf32>
      %parallel_loop3A_359 = arith.constant 0 : i32
      %parallel_loop3A_360 = arith.index_cast %parallel_loop3A_359 : i32 to index
      %parallel_loop3A_361 = arith.index_cast %parallel_loop3A_291 : i32 to index
      %parallel_loop3A_362 = arith.constant 96 : index
      %parallel_loop3A_363 = tpu.vector_load %arg10[%parallel_loop3A_360, %parallel_loop3A_361, %parallel_loop3A_362] {strides = array<i32>} : memref<5x128x128xf32, #tpu.memory_space<vmem>>, vector<16xf32>,
      %parallel_loop3A_364 = arith.mulf %parallel_loop3A_312, %parallel_loop3A_363 : vector<16xf32>
      %parallel_loop3A_365 = arith.addf %parallel_loop3A_358, %parallel_loop3A_364 : vector<16xf32>
      %parallel_loop3A_366 = arith.constant 0 : i32
      %parallel_loop3A_367 = arith.index_cast %parallel_loop3A_366 : i32 to index
      %parallel_loop3A_368 = arith.index_cast %parallel_loop3A_291 : i32 to index
      %parallel_loop3A_369 = arith.constant 112 : index
      %parallel_loop3A_370 = tpu.vector_load %arg10[%parallel_loop3A_367, %parallel_loop3A_368, %parallel_loop3A_369] {strides = array<i32>} : memref<5x128x128xf32, #tpu.memory_space<vmem>>, vector<16xf32>,
      %parallel_loop3A_371 = arith.mulf %parallel_loop3A_315, %parallel_loop3A_370 : vector<16xf32>
      %parallel_loop3A_372 = arith.addf %parallel_loop3A_365, %parallel_loop3A_371 : vector<16xf32>
      %parallel_loop3A_373 = arith.constant 0 : i32
      %parallel_loop3A_374 = vector.broadcast %parallel_loop3A_373 : i32 to vector<16xi32>
      %parallel_loop3A_375 = arith.cmpi eq, %iota3A, %parallel_loop3A_374 : vector<16xi32>
      %parallel_loop3A_376 = arith.constant 0 : i32
      %parallel_loop3A_377 = vector.broadcast %parallel_loop3A_376 : i32 to vector<16xi32>
      %parallel_loop3A_378 = arith.cmpi slt, %xor3A_141, %parallel_loop3A_377 : vector<16xi32>
      %parallel_loop3A_379 = arith.constant 16 : i32
      %parallel_loop3A_380 = vector.broadcast %parallel_loop3A_379 : i32 to vector<16xi32>
      %parallel_loop3A_381 = arith.addi %xor3A_141, %parallel_loop3A_380 : vector<16xi32>
      %parallel_loop3A_382 = arith.select %parallel_loop3A_378, %parallel_loop3A_381, %xor3A_141 : vector<16xi1>, vector<16xi32>
      %parallel_loop3A_383 = vector.shape_cast %parallel_loop3A_382 : vector<16xi32> to vector<16x1xi32>
      %parallel_loop3A_384 = vector.shape_cast %parallel_loop3A_383 : vector<16x1xi32> to vector<16xi32>
      %parallel_loop3A_385 = tpu.dynamic_gather %parallel_loop3A_372[%parallel_loop3A_384] in [0] : vector<16xf32>, vector<16xi32> -> vector<16xf32>
      %parallel_loop3A_386 = arith.addf %parallel_loop3A_372, %parallel_loop3A_385 : vector<16xf32>
      %parallel_loop3A_387 = arith.constant 0 : i32
      %parallel_loop3A_388 = vector.broadcast %parallel_loop3A_387 : i32 to vector<16xi32>
      %parallel_loop3A_389 = arith.cmpi slt, %xor3A_144, %parallel_loop3A_388 : vector<16xi32>
      %parallel_loop3A_390 = arith.constant 16 : i32
      %parallel_loop3A_391 = vector.broadcast %parallel_loop3A_390 : i32 to vector<16xi32>
      %parallel_loop3A_392 = arith.addi %xor3A_144, %parallel_loop3A_391 : vector<16xi32>
      %parallel_loop3A_393 = arith.select %parallel_loop3A_389, %parallel_loop3A_392, %xor3A_144 : vector<16xi1>, vector<16xi32>
      %parallel_loop3A_394 = vector.shape_cast %parallel_loop3A_393 : vector<16xi32> to vector<16x1xi32>
      %parallel_loop3A_395 = vector.shape_cast %parallel_loop3A_394 : vector<16x1xi32> to vector<16xi32>
      %parallel_loop3A_396 = tpu.dynamic_gather %parallel_loop3A_386[%parallel_loop3A_395] in [0] : vector<16xf32>, vector<16xi32> -> vector<16xf32>
      %parallel_loop3A_397 = arith.addf %parallel_loop3A_386, %parallel_loop3A_396 : vector<16xf32>
      %parallel_loop3A_398 = arith.constant 0 : i32
      %parallel_loop3A_399 = vector.broadcast %parallel_loop3A_398 : i32 to vector<16xi32>
      %parallel_loop3A_400 = arith.cmpi slt, %xor3A_147, %parallel_loop3A_399 : vector<16xi32>
      %parallel_loop3A_401 = arith.constant 16 : i32
      %parallel_loop3A_402 = vector.broadcast %parallel_loop3A_401 : i32 to vector<16xi32>
      %parallel_loop3A_403 = arith.addi %xor3A_147, %parallel_loop3A_402 : vector<16xi32>
      %parallel_loop3A_404 = arith.select %parallel_loop3A_400, %parallel_loop3A_403, %xor3A_147 : vector<16xi1>, vector<16xi32>
      %parallel_loop3A_405 = vector.shape_cast %parallel_loop3A_404 : vector<16xi32> to vector<16x1xi32>
      %parallel_loop3A_406 = vector.shape_cast %parallel_loop3A_405 : vector<16x1xi32> to vector<16xi32>
      %parallel_loop3A_407 = tpu.dynamic_gather %parallel_loop3A_397[%parallel_loop3A_406] in [0] : vector<16xf32>, vector<16xi32> -> vector<16xf32>
      %parallel_loop3A_408 = arith.addf %parallel_loop3A_397, %parallel_loop3A_407 : vector<16xf32>
      %parallel_loop3A_409 = arith.constant 0 : i32
      %parallel_loop3A_410 = vector.broadcast %parallel_loop3A_409 : i32 to vector<16xi32>
      %parallel_loop3A_411 = arith.cmpi slt, %xor3A_150, %parallel_loop3A_410 : vector<16xi32>
      %parallel_loop3A_412 = arith.constant 16 : i32
      %parallel_loop3A_413 = vector.broadcast %parallel_loop3A_412 : i32 to vector<16xi32>
      %parallel_loop3A_414 = arith.addi %xor3A_150, %parallel_loop3A_413 : vector<16xi32>
      %parallel_loop3A_415 = arith.select %parallel_loop3A_411, %parallel_loop3A_414, %xor3A_150 : vector<16xi1>, vector<16xi32>
      %parallel_loop3A_416 = vector.shape_cast %parallel_loop3A_415 : vector<16xi32> to vector<16x1xi32>
      %parallel_loop3A_417 = vector.shape_cast %parallel_loop3A_416 : vector<16x1xi32> to vector<16xi32>
      %parallel_loop3A_418 = tpu.dynamic_gather %parallel_loop3A_408[%parallel_loop3A_417] in [0] : vector<16xf32>, vector<16xi32> -> vector<16xf32>
      %parallel_loop3A_419 = arith.addf %parallel_loop3A_408, %parallel_loop3A_418 : vector<16xf32>
      %parallel_loop3A_420 = arith.select %parallel_loop3A_375, %parallel_loop3A_419, %parallel_loop3A_317 : vector<16xi1>, vector<16xf32>
      %parallel_loop3A_421 = arith.constant 1 : i32
      %parallel_loop3A_422 = arith.index_cast %parallel_loop3A_421 : i32 to index
      %parallel_loop3A_423 = arith.index_cast %parallel_loop3A_291 : i32 to index
      %parallel_loop3A_424 = arith.constant 0 : index
      %parallel_loop3A_425 = tpu.vector_load %arg10[%parallel_loop3A_422, %parallel_loop3A_423, %parallel_loop3A_424] {strides = array<i32>} : memref<5x128x128xf32, #tpu.memory_space<vmem>>, vector<16xf32>,
      %parallel_loop3A_426 = arith.mulf %parallel_loop3A_294, %parallel_loop3A_425 : vector<16xf32>
      %parallel_loop3A_427 = arith.constant 1 : i32
      %parallel_loop3A_428 = arith.index_cast %parallel_loop3A_427 : i32 to index
      %parallel_loop3A_429 = arith.index_cast %parallel_loop3A_291 : i32 to index
      %parallel_loop3A_430 = arith.constant 16 : index
      %parallel_loop3A_431 = tpu.vector_load %arg10[%parallel_loop3A_428, %parallel_loop3A_429, %parallel_loop3A_430] {strides = array<i32>} : memref<5x128x128xf32, #tpu.memory_space<vmem>>, vector<16xf32>,
      %parallel_loop3A_432 = arith.mulf %parallel_loop3A_297, %parallel_loop3A_431 : vector<16xf32>
      %parallel_loop3A_433 = arith.addf %parallel_loop3A_426, %parallel_loop3A_432 : vector<16xf32>
      %parallel_loop3A_434 = arith.constant 1 : i32
      %parallel_loop3A_435 = arith.index_cast %parallel_loop3A_434 : i32 to index
      %parallel_loop3A_436 = arith.index_cast %parallel_loop3A_291 : i32 to index
      %parallel_loop3A_437 = arith.constant 32 : index
      %parallel_loop3A_438 = tpu.vector_load %arg10[%parallel_loop3A_435, %parallel_loop3A_436, %parallel_loop3A_437] {strides = array<i32>} : memref<5x128x128xf32, #tpu.memory_space<vmem>>, vector<16xf32>,
      %parallel_loop3A_439 = arith.mulf %parallel_loop3A_300, %parallel_loop3A_438 : vector<16xf32>
      %parallel_loop3A_440 = arith.addf %parallel_loop3A_433, %parallel_loop3A_439 : vector<16xf32>
      %parallel_loop3A_441 = arith.constant 1 : i32
      %parallel_loop3A_442 = arith.index_cast %parallel_loop3A_441 : i32 to index
      %parallel_loop3A_443 = arith.index_cast %parallel_loop3A_291 : i32 to index
      %parallel_loop3A_444 = arith.constant 48 : index
      %parallel_loop3A_445 = tpu.vector_load %arg10[%parallel_loop3A_442, %parallel_loop3A_443, %parallel_loop3A_444] {strides = array<i32>} : memref<5x128x128xf32, #tpu.memory_space<vmem>>, vector<16xf32>,
      %parallel_loop3A_446 = arith.mulf %parallel_loop3A_303, %parallel_loop3A_445 : vector<16xf32>
      %parallel_loop3A_447 = arith.addf %parallel_loop3A_440, %parallel_loop3A_446 : vector<16xf32>
      %parallel_loop3A_448 = arith.constant 1 : i32
      %parallel_loop3A_449 = arith.index_cast %parallel_loop3A_448 : i32 to index
      %parallel_loop3A_450 = arith.index_cast %parallel_loop3A_291 : i32 to index
      %parallel_loop3A_451 = arith.constant 64 : index
      %parallel_loop3A_452 = tpu.vector_load %arg10[%parallel_loop3A_449, %parallel_loop3A_450, %parallel_loop3A_451] {strides = array<i32>} : memref<5x128x128xf32, #tpu.memory_space<vmem>>, vector<16xf32>,
      %parallel_loop3A_453 = arith.mulf %parallel_loop3A_306, %parallel_loop3A_452 : vector<16xf32>
      %parallel_loop3A_454 = arith.addf %parallel_loop3A_447, %parallel_loop3A_453 : vector<16xf32>
      %parallel_loop3A_455 = arith.constant 1 : i32
      %parallel_loop3A_456 = arith.index_cast %parallel_loop3A_455 : i32 to index
      %parallel_loop3A_457 = arith.index_cast %parallel_loop3A_291 : i32 to index
      %parallel_loop3A_458 = arith.constant 80 : index
      %parallel_loop3A_459 = tpu.vector_load %arg10[%parallel_loop3A_456, %parallel_loop3A_457, %parallel_loop3A_458] {strides = array<i32>} : memref<5x128x128xf32, #tpu.memory_space<vmem>>, vector<16xf32>,
      %parallel_loop3A_460 = arith.mulf %parallel_loop3A_309, %parallel_loop3A_459 : vector<16xf32>
      %parallel_loop3A_461 = arith.addf %parallel_loop3A_454, %parallel_loop3A_460 : vector<16xf32>
      %parallel_loop3A_462 = arith.constant 1 : i32
      %parallel_loop3A_463 = arith.index_cast %parallel_loop3A_462 : i32 to index
      %parallel_loop3A_464 = arith.index_cast %parallel_loop3A_291 : i32 to index
      %parallel_loop3A_465 = arith.constant 96 : index
      %parallel_loop3A_466 = tpu.vector_load %arg10[%parallel_loop3A_463, %parallel_loop3A_464, %parallel_loop3A_465] {strides = array<i32>} : memref<5x128x128xf32, #tpu.memory_space<vmem>>, vector<16xf32>,
      %parallel_loop3A_467 = arith.mulf %parallel_loop3A_312, %parallel_loop3A_466 : vector<16xf32>
      %parallel_loop3A_468 = arith.addf %parallel_loop3A_461, %parallel_loop3A_467 : vector<16xf32>
      %parallel_loop3A_469 = arith.constant 1 : i32
      %parallel_loop3A_470 = arith.index_cast %parallel_loop3A_469 : i32 to index
      %parallel_loop3A_471 = arith.index_cast %parallel_loop3A_291 : i32 to index
      %parallel_loop3A_472 = arith.constant 112 : index
      %parallel_loop3A_473 = tpu.vector_load %arg10[%parallel_loop3A_470, %parallel_loop3A_471, %parallel_loop3A_472] {strides = array<i32>} : memref<5x128x128xf32, #tpu.memory_space<vmem>>, vector<16xf32>,
      %parallel_loop3A_474 = arith.mulf %parallel_loop3A_315, %parallel_loop3A_473 : vector<16xf32>
      %parallel_loop3A_475 = arith.addf %parallel_loop3A_468, %parallel_loop3A_474 : vector<16xf32>
      %parallel_loop3A_476 = arith.constant 1 : i32
      %parallel_loop3A_477 = vector.broadcast %parallel_loop3A_476 : i32 to vector<16xi32>
      %parallel_loop3A_478 = arith.cmpi eq, %iota3A, %parallel_loop3A_477 : vector<16xi32>
      %parallel_loop3A_479 = arith.constant 0 : i32
      %parallel_loop3A_480 = vector.broadcast %parallel_loop3A_479 : i32 to vector<16xi32>
      %parallel_loop3A_481 = arith.cmpi slt, %xor3A_141, %parallel_loop3A_480 : vector<16xi32>
      %parallel_loop3A_482 = arith.constant 16 : i32
      %parallel_loop3A_483 = vector.broadcast %parallel_loop3A_482 : i32 to vector<16xi32>
      %parallel_loop3A_484 = arith.addi %xor3A_141, %parallel_loop3A_483 : vector<16xi32>
      %parallel_loop3A_485 = arith.select %parallel_loop3A_481, %parallel_loop3A_484, %xor3A_141 : vector<16xi1>, vector<16xi32>
      %parallel_loop3A_486 = vector.shape_cast %parallel_loop3A_485 : vector<16xi32> to vector<16x1xi32>
      %parallel_loop3A_487 = vector.shape_cast %parallel_loop3A_486 : vector<16x1xi32> to vector<16xi32>
      %parallel_loop3A_488 = tpu.dynamic_gather %parallel_loop3A_475[%parallel_loop3A_487] in [0] : vector<16xf32>, vector<16xi32> -> vector<16xf32>
      %parallel_loop3A_489 = arith.addf %parallel_loop3A_475, %parallel_loop3A_488 : vector<16xf32>
      %parallel_loop3A_490 = arith.constant 0 : i32
      %parallel_loop3A_491 = vector.broadcast %parallel_loop3A_490 : i32 to vector<16xi32>
      %parallel_loop3A_492 = arith.cmpi slt, %xor3A_144, %parallel_loop3A_491 : vector<16xi32>
      %parallel_loop3A_493 = arith.constant 16 : i32
      %parallel_loop3A_494 = vector.broadcast %parallel_loop3A_493 : i32 to vector<16xi32>
      %parallel_loop3A_495 = arith.addi %xor3A_144, %parallel_loop3A_494 : vector<16xi32>
      %parallel_loop3A_496 = arith.select %parallel_loop3A_492, %parallel_loop3A_495, %xor3A_144 : vector<16xi1>, vector<16xi32>
      %parallel_loop3A_497 = vector.shape_cast %parallel_loop3A_496 : vector<16xi32> to vector<16x1xi32>
      %parallel_loop3A_498 = vector.shape_cast %parallel_loop3A_497 : vector<16x1xi32> to vector<16xi32>
      %parallel_loop3A_499 = tpu.dynamic_gather %parallel_loop3A_489[%parallel_loop3A_498] in [0] : vector<16xf32>, vector<16xi32> -> vector<16xf32>
      %parallel_loop3A_500 = arith.addf %parallel_loop3A_489, %parallel_loop3A_499 : vector<16xf32>
      %parallel_loop3A_501 = arith.constant 0 : i32
      %parallel_loop3A_502 = vector.broadcast %parallel_loop3A_501 : i32 to vector<16xi32>
      %parallel_loop3A_503 = arith.cmpi slt, %xor3A_147, %parallel_loop3A_502 : vector<16xi32>
      %parallel_loop3A_504 = arith.constant 16 : i32
      %parallel_loop3A_505 = vector.broadcast %parallel_loop3A_504 : i32 to vector<16xi32>
      %parallel_loop3A_506 = arith.addi %xor3A_147, %parallel_loop3A_505 : vector<16xi32>
      %parallel_loop3A_507 = arith.select %parallel_loop3A_503, %parallel_loop3A_506, %xor3A_147 : vector<16xi1>, vector<16xi32>
      %parallel_loop3A_508 = vector.shape_cast %parallel_loop3A_507 : vector<16xi32> to vector<16x1xi32>
      %parallel_loop3A_509 = vector.shape_cast %parallel_loop3A_508 : vector<16x1xi32> to vector<16xi32>
      %parallel_loop3A_510 = tpu.dynamic_gather %parallel_loop3A_500[%parallel_loop3A_509] in [0] : vector<16xf32>, vector<16xi32> -> vector<16xf32>
      %parallel_loop3A_511 = arith.addf %parallel_loop3A_500, %parallel_loop3A_510 : vector<16xf32>
      %parallel_loop3A_512 = arith.constant 0 : i32
      %parallel_loop3A_513 = vector.broadcast %parallel_loop3A_512 : i32 to vector<16xi32>
      %parallel_loop3A_514 = arith.cmpi slt, %xor3A_150, %parallel_loop3A_513 : vector<16xi32>
      %parallel_loop3A_515 = arith.constant 16 : i32
      %parallel_loop3A_516 = vector.broadcast %parallel_loop3A_515 : i32 to vector<16xi32>
      %parallel_loop3A_517 = arith.addi %xor3A_150, %parallel_loop3A_516 : vector<16xi32>
      %parallel_loop3A_518 = arith.select %parallel_loop3A_514, %parallel_loop3A_517, %xor3A_150 : vector<16xi1>, vector<16xi32>
      %parallel_loop3A_519 = vector.shape_cast %parallel_loop3A_518 : vector<16xi32> to vector<16x1xi32>
      %parallel_loop3A_520 = vector.shape_cast %parallel_loop3A_519 : vector<16x1xi32> to vector<16xi32>
      %parallel_loop3A_521 = tpu.dynamic_gather %parallel_loop3A_511[%parallel_loop3A_520] in [0] : vector<16xf32>, vector<16xi32> -> vector<16xf32>
      %parallel_loop3A_522 = arith.addf %parallel_loop3A_511, %parallel_loop3A_521 : vector<16xf32>
      %parallel_loop3A_523 = arith.select %parallel_loop3A_478, %parallel_loop3A_522, %parallel_loop3A_420 : vector<16xi1>, vector<16xf32>
      %parallel_loop3A_524 = arith.constant 2 : i32
      %parallel_loop3A_525 = arith.index_cast %parallel_loop3A_524 : i32 to index
      %parallel_loop3A_526 = arith.index_cast %parallel_loop3A_291 : i32 to index
      %parallel_loop3A_527 = arith.constant 0 : index
      %parallel_loop3A_528 = tpu.vector_load %arg10[%parallel_loop3A_525, %parallel_loop3A_526, %parallel_loop3A_527] {strides = array<i32>} : memref<5x128x128xf32, #tpu.memory_space<vmem>>, vector<16xf32>,
      %parallel_loop3A_529 = arith.mulf %parallel_loop3A_294, %parallel_loop3A_528 : vector<16xf32>
      %parallel_loop3A_530 = arith.constant 2 : i32
      %parallel_loop3A_531 = arith.index_cast %parallel_loop3A_530 : i32 to index
      %parallel_loop3A_532 = arith.index_cast %parallel_loop3A_291 : i32 to index
      %parallel_loop3A_533 = arith.constant 16 : index
      %parallel_loop3A_534 = tpu.vector_load %arg10[%parallel_loop3A_531, %parallel_loop3A_532, %parallel_loop3A_533] {strides = array<i32>} : memref<5x128x128xf32, #tpu.memory_space<vmem>>, vector<16xf32>,
      %parallel_loop3A_535 = arith.mulf %parallel_loop3A_297, %parallel_loop3A_534 : vector<16xf32>
      %parallel_loop3A_536 = arith.addf %parallel_loop3A_529, %parallel_loop3A_535 : vector<16xf32>
      %parallel_loop3A_537 = arith.constant 2 : i32
      %parallel_loop3A_538 = arith.index_cast %parallel_loop3A_537 : i32 to index
      %parallel_loop3A_539 = arith.index_cast %parallel_loop3A_291 : i32 to index
      %parallel_loop3A_540 = arith.constant 32 : index
      %parallel_loop3A_541 = tpu.vector_load %arg10[%parallel_loop3A_538, %parallel_loop3A_539, %parallel_loop3A_540] {strides = array<i32>} : memref<5x128x128xf32, #tpu.memory_space<vmem>>, vector<16xf32>,
      %parallel_loop3A_542 = arith.mulf %parallel_loop3A_300, %parallel_loop3A_541 : vector<16xf32>
      %parallel_loop3A_543 = arith.addf %parallel_loop3A_536, %parallel_loop3A_542 : vector<16xf32>
      %parallel_loop3A_544 = arith.constant 2 : i32
      %parallel_loop3A_545 = arith.index_cast %parallel_loop3A_544 : i32 to index
      %parallel_loop3A_546 = arith.index_cast %parallel_loop3A_291 : i32 to index
      %parallel_loop3A_547 = arith.constant 48 : index
      %parallel_loop3A_548 = tpu.vector_load %arg10[%parallel_loop3A_545, %parallel_loop3A_546, %parallel_loop3A_547] {strides = array<i32>} : memref<5x128x128xf32, #tpu.memory_space<vmem>>, vector<16xf32>,
      %parallel_loop3A_549 = arith.mulf %parallel_loop3A_303, %parallel_loop3A_548 : vector<16xf32>
      %parallel_loop3A_550 = arith.addf %parallel_loop3A_543, %parallel_loop3A_549 : vector<16xf32>
      %parallel_loop3A_551 = arith.constant 2 : i32
      %parallel_loop3A_552 = arith.index_cast %parallel_loop3A_551 : i32 to index
      %parallel_loop3A_553 = arith.index_cast %parallel_loop3A_291 : i32 to index
      %parallel_loop3A_554 = arith.constant 64 : index
      %parallel_loop3A_555 = tpu.vector_load %arg10[%parallel_loop3A_552, %parallel_loop3A_553, %parallel_loop3A_554] {strides = array<i32>} : memref<5x128x128xf32, #tpu.memory_space<vmem>>, vector<16xf32>,
      %parallel_loop3A_556 = arith.mulf %parallel_loop3A_306, %parallel_loop3A_555 : vector<16xf32>
      %parallel_loop3A_557 = arith.addf %parallel_loop3A_550, %parallel_loop3A_556 : vector<16xf32>
      %parallel_loop3A_558 = arith.constant 2 : i32
      %parallel_loop3A_559 = arith.index_cast %parallel_loop3A_558 : i32 to index
      %parallel_loop3A_560 = arith.index_cast %parallel_loop3A_291 : i32 to index
      %parallel_loop3A_561 = arith.constant 80 : index
      %parallel_loop3A_562 = tpu.vector_load %arg10[%parallel_loop3A_559, %parallel_loop3A_560, %parallel_loop3A_561] {strides = array<i32>} : memref<5x128x128xf32, #tpu.memory_space<vmem>>, vector<16xf32>,
      %parallel_loop3A_563 = arith.mulf %parallel_loop3A_309, %parallel_loop3A_562 : vector<16xf32>
      %parallel_loop3A_564 = arith.addf %parallel_loop3A_557, %parallel_loop3A_563 : vector<16xf32>
      %parallel_loop3A_565 = arith.constant 2 : i32
      %parallel_loop3A_566 = arith.index_cast %parallel_loop3A_565 : i32 to index
      %parallel_loop3A_567 = arith.index_cast %parallel_loop3A_291 : i32 to index
      %parallel_loop3A_568 = arith.constant 96 : index
      %parallel_loop3A_569 = tpu.vector_load %arg10[%parallel_loop3A_566, %parallel_loop3A_567, %parallel_loop3A_568] {strides = array<i32>} : memref<5x128x128xf32, #tpu.memory_space<vmem>>, vector<16xf32>,
      %parallel_loop3A_570 = arith.mulf %parallel_loop3A_312, %parallel_loop3A_569 : vector<16xf32>
      %parallel_loop3A_571 = arith.addf %parallel_loop3A_564, %parallel_loop3A_570 : vector<16xf32>
      %parallel_loop3A_572 = arith.constant 2 : i32
      %parallel_loop3A_573 = arith.index_cast %parallel_loop3A_572 : i32 to index
      %parallel_loop3A_574 = arith.index_cast %parallel_loop3A_291 : i32 to index
      %parallel_loop3A_575 = arith.constant 112 : index
      %parallel_loop3A_576 = tpu.vector_load %arg10[%parallel_loop3A_573, %parallel_loop3A_574, %parallel_loop3A_575] {strides = array<i32>} : memref<5x128x128xf32, #tpu.memory_space<vmem>>, vector<16xf32>,
      %parallel_loop3A_577 = arith.mulf %parallel_loop3A_315, %parallel_loop3A_576 : vector<16xf32>
      %parallel_loop3A_578 = arith.addf %parallel_loop3A_571, %parallel_loop3A_577 : vector<16xf32>
      %parallel_loop3A_579 = arith.constant 2 : i32
      %parallel_loop3A_580 = vector.broadcast %parallel_loop3A_579 : i32 to vector<16xi32>
      %parallel_loop3A_581 = arith.cmpi eq, %iota3A, %parallel_loop3A_580 : vector<16xi32>
      %parallel_loop3A_582 = arith.constant 0 : i32
      %parallel_loop3A_583 = vector.broadcast %parallel_loop3A_582 : i32 to vector<16xi32>
      %parallel_loop3A_584 = arith.cmpi slt, %xor3A_141, %parallel_loop3A_583 : vector<16xi32>
      %parallel_loop3A_585 = arith.constant 16 : i32
      %parallel_loop3A_586 = vector.broadcast %parallel_loop3A_585 : i32 to vector<16xi32>
      %parallel_loop3A_587 = arith.addi %xor3A_141, %parallel_loop3A_586 : vector<16xi32>
      %parallel_loop3A_588 = arith.select %parallel_loop3A_584, %parallel_loop3A_587, %xor3A_141 : vector<16xi1>, vector<16xi32>
      %parallel_loop3A_589 = vector.shape_cast %parallel_loop3A_588 : vector<16xi32> to vector<16x1xi32>
      %parallel_loop3A_590 = vector.shape_cast %parallel_loop3A_589 : vector<16x1xi32> to vector<16xi32>
      %parallel_loop3A_591 = tpu.dynamic_gather %parallel_loop3A_578[%parallel_loop3A_590] in [0] : vector<16xf32>, vector<16xi32> -> vector<16xf32>
      %parallel_loop3A_592 = arith.addf %parallel_loop3A_578, %parallel_loop3A_591 : vector<16xf32>
      %parallel_loop3A_593 = arith.constant 0 : i32
      %parallel_loop3A_594 = vector.broadcast %parallel_loop3A_593 : i32 to vector<16xi32>
      %parallel_loop3A_595 = arith.cmpi slt, %xor3A_144, %parallel_loop3A_594 : vector<16xi32>
      %parallel_loop3A_596 = arith.constant 16 : i32
      %parallel_loop3A_597 = vector.broadcast %parallel_loop3A_596 : i32 to vector<16xi32>
      %parallel_loop3A_598 = arith.addi %xor3A_144, %parallel_loop3A_597 : vector<16xi32>
      %parallel_loop3A_599 = arith.select %parallel_loop3A_595, %parallel_loop3A_598, %xor3A_144 : vector<16xi1>, vector<16xi32>
      %parallel_loop3A_600 = vector.shape_cast %parallel_loop3A_599 : vector<16xi32> to vector<16x1xi32>
      %parallel_loop3A_601 = vector.shape_cast %parallel_loop3A_600 : vector<16x1xi32> to vector<16xi32>
      %parallel_loop3A_602 = tpu.dynamic_gather %parallel_loop3A_592[%parallel_loop3A_601] in [0] : vector<16xf32>, vector<16xi32> -> vector<16xf32>
      %parallel_loop3A_603 = arith.addf %parallel_loop3A_592, %parallel_loop3A_602 : vector<16xf32>
      %parallel_loop3A_604 = arith.constant 0 : i32
      %parallel_loop3A_605 = vector.broadcast %parallel_loop3A_604 : i32 to vector<16xi32>
      %parallel_loop3A_606 = arith.cmpi slt, %xor3A_147, %parallel_loop3A_605 : vector<16xi32>
      %parallel_loop3A_607 = arith.constant 16 : i32
      %parallel_loop3A_608 = vector.broadcast %parallel_loop3A_607 : i32 to vector<16xi32>
      %parallel_loop3A_609 = arith.addi %xor3A_147, %parallel_loop3A_608 : vector<16xi32>
      %parallel_loop3A_610 = arith.select %parallel_loop3A_606, %parallel_loop3A_609, %xor3A_147 : vector<16xi1>, vector<16xi32>
      %parallel_loop3A_611 = vector.shape_cast %parallel_loop3A_610 : vector<16xi32> to vector<16x1xi32>
      %parallel_loop3A_612 = vector.shape_cast %parallel_loop3A_611 : vector<16x1xi32> to vector<16xi32>
      %parallel_loop3A_613 = tpu.dynamic_gather %parallel_loop3A_603[%parallel_loop3A_612] in [0] : vector<16xf32>, vector<16xi32> -> vector<16xf32>
      %parallel_loop3A_614 = arith.addf %parallel_loop3A_603, %parallel_loop3A_613 : vector<16xf32>
      %parallel_loop3A_615 = arith.constant 0 : i32
      %parallel_loop3A_616 = vector.broadcast %parallel_loop3A_615 : i32 to vector<16xi32>
      %parallel_loop3A_617 = arith.cmpi slt, %xor3A_150, %parallel_loop3A_616 : vector<16xi32>
      %parallel_loop3A_618 = arith.constant 16 : i32
      %parallel_loop3A_619 = vector.broadcast %parallel_loop3A_618 : i32 to vector<16xi32>
      %parallel_loop3A_620 = arith.addi %xor3A_150, %parallel_loop3A_619 : vector<16xi32>
      %parallel_loop3A_621 = arith.select %parallel_loop3A_617, %parallel_loop3A_620, %xor3A_150 : vector<16xi1>, vector<16xi32>
      %parallel_loop3A_622 = vector.shape_cast %parallel_loop3A_621 : vector<16xi32> to vector<16x1xi32>
      %parallel_loop3A_623 = vector.shape_cast %parallel_loop3A_622 : vector<16x1xi32> to vector<16xi32>
      %parallel_loop3A_624 = tpu.dynamic_gather %parallel_loop3A_614[%parallel_loop3A_623] in [0] : vector<16xf32>, vector<16xi32> -> vector<16xf32>
      %parallel_loop3A_625 = arith.addf %parallel_loop3A_614, %parallel_loop3A_624 : vector<16xf32>
      %parallel_loop3A_626 = arith.select %parallel_loop3A_581, %parallel_loop3A_625, %parallel_loop3A_523 : vector<16xi1>, vector<16xf32>
      %parallel_loop3A_627 = arith.constant 3 : i32
      %parallel_loop3A_628 = arith.index_cast %parallel_loop3A_627 : i32 to index
      %parallel_loop3A_629 = arith.index_cast %parallel_loop3A_291 : i32 to index
      %parallel_loop3A_630 = arith.constant 0 : index
      %parallel_loop3A_631 = tpu.vector_load %arg10[%parallel_loop3A_628, %parallel_loop3A_629, %parallel_loop3A_630] {strides = array<i32>} : memref<5x128x128xf32, #tpu.memory_space<vmem>>, vector<16xf32>,
      %parallel_loop3A_632 = arith.mulf %parallel_loop3A_294, %parallel_loop3A_631 : vector<16xf32>
      %parallel_loop3A_633 = arith.constant 3 : i32
      %parallel_loop3A_634 = arith.index_cast %parallel_loop3A_633 : i32 to index
      %parallel_loop3A_635 = arith.index_cast %parallel_loop3A_291 : i32 to index
      %parallel_loop3A_636 = arith.constant 16 : index
      %parallel_loop3A_637 = tpu.vector_load %arg10[%parallel_loop3A_634, %parallel_loop3A_635, %parallel_loop3A_636] {strides = array<i32>} : memref<5x128x128xf32, #tpu.memory_space<vmem>>, vector<16xf32>,
      %parallel_loop3A_638 = arith.mulf %parallel_loop3A_297, %parallel_loop3A_637 : vector<16xf32>
      %parallel_loop3A_639 = arith.addf %parallel_loop3A_632, %parallel_loop3A_638 : vector<16xf32>
      %parallel_loop3A_640 = arith.constant 3 : i32
      %parallel_loop3A_641 = arith.index_cast %parallel_loop3A_640 : i32 to index
      %parallel_loop3A_642 = arith.index_cast %parallel_loop3A_291 : i32 to index
      %parallel_loop3A_643 = arith.constant 32 : index
      %parallel_loop3A_644 = tpu.vector_load %arg10[%parallel_loop3A_641, %parallel_loop3A_642, %parallel_loop3A_643] {strides = array<i32>} : memref<5x128x128xf32, #tpu.memory_space<vmem>>, vector<16xf32>,
      %parallel_loop3A_645 = arith.mulf %parallel_loop3A_300, %parallel_loop3A_644 : vector<16xf32>
      %parallel_loop3A_646 = arith.addf %parallel_loop3A_639, %parallel_loop3A_645 : vector<16xf32>
      %parallel_loop3A_647 = arith.constant 3 : i32
      %parallel_loop3A_648 = arith.index_cast %parallel_loop3A_647 : i32 to index
      %parallel_loop3A_649 = arith.index_cast %parallel_loop3A_291 : i32 to index
      %parallel_loop3A_650 = arith.constant 48 : index
      %parallel_loop3A_651 = tpu.vector_load %arg10[%parallel_loop3A_648, %parallel_loop3A_649, %parallel_loop3A_650] {strides = array<i32>} : memref<5x128x128xf32, #tpu.memory_space<vmem>>, vector<16xf32>,
      %parallel_loop3A_652 = arith.mulf %parallel_loop3A_303, %parallel_loop3A_651 : vector<16xf32>
      %parallel_loop3A_653 = arith.addf %parallel_loop3A_646, %parallel_loop3A_652 : vector<16xf32>
      %parallel_loop3A_654 = arith.constant 3 : i32
      %parallel_loop3A_655 = arith.index_cast %parallel_loop3A_654 : i32 to index
      %parallel_loop3A_656 = arith.index_cast %parallel_loop3A_291 : i32 to index
      %parallel_loop3A_657 = arith.constant 64 : index
      %parallel_loop3A_658 = tpu.vector_load %arg10[%parallel_loop3A_655, %parallel_loop3A_656, %parallel_loop3A_657] {strides = array<i32>} : memref<5x128x128xf32, #tpu.memory_space<vmem>>, vector<16xf32>,
      %parallel_loop3A_659 = arith.mulf %parallel_loop3A_306, %parallel_loop3A_658 : vector<16xf32>
      %parallel_loop3A_660 = arith.addf %parallel_loop3A_653, %parallel_loop3A_659 : vector<16xf32>
      %parallel_loop3A_661 = arith.constant 3 : i32
      %parallel_loop3A_662 = arith.index_cast %parallel_loop3A_661 : i32 to index
      %parallel_loop3A_663 = arith.index_cast %parallel_loop3A_291 : i32 to index
      %parallel_loop3A_664 = arith.constant 80 : index
      %parallel_loop3A_665 = tpu.vector_load %arg10[%parallel_loop3A_662, %parallel_loop3A_663, %parallel_loop3A_664] {strides = array<i32>} : memref<5x128x128xf32, #tpu.memory_space<vmem>>, vector<16xf32>,
      %parallel_loop3A_666 = arith.mulf %parallel_loop3A_309, %parallel_loop3A_665 : vector<16xf32>
      %parallel_loop3A_667 = arith.addf %parallel_loop3A_660, %parallel_loop3A_666 : vector<16xf32>
      %parallel_loop3A_668 = arith.constant 3 : i32
      %parallel_loop3A_669 = arith.index_cast %parallel_loop3A_668 : i32 to index
      %parallel_loop3A_670 = arith.index_cast %parallel_loop3A_291 : i32 to index
      %parallel_loop3A_671 = arith.constant 96 : index
      %parallel_loop3A_672 = tpu.vector_load %arg10[%parallel_loop3A_669, %parallel_loop3A_670, %parallel_loop3A_671] {strides = array<i32>} : memref<5x128x128xf32, #tpu.memory_space<vmem>>, vector<16xf32>,
      %parallel_loop3A_673 = arith.mulf %parallel_loop3A_312, %parallel_loop3A_672 : vector<16xf32>
      %parallel_loop3A_674 = arith.addf %parallel_loop3A_667, %parallel_loop3A_673 : vector<16xf32>
      %parallel_loop3A_675 = arith.constant 3 : i32
      %parallel_loop3A_676 = arith.index_cast %parallel_loop3A_675 : i32 to index
      %parallel_loop3A_677 = arith.index_cast %parallel_loop3A_291 : i32 to index
      %parallel_loop3A_678 = arith.constant 112 : index
      %parallel_loop3A_679 = tpu.vector_load %arg10[%parallel_loop3A_676, %parallel_loop3A_677, %parallel_loop3A_678] {strides = array<i32>} : memref<5x128x128xf32, #tpu.memory_space<vmem>>, vector<16xf32>,
      %parallel_loop3A_680 = arith.mulf %parallel_loop3A_315, %parallel_loop3A_679 : vector<16xf32>
      %parallel_loop3A_681 = arith.addf %parallel_loop3A_674, %parallel_loop3A_680 : vector<16xf32>
      %parallel_loop3A_682 = arith.constant 3 : i32
      %parallel_loop3A_683 = vector.broadcast %parallel_loop3A_682 : i32 to vector<16xi32>
      %parallel_loop3A_684 = arith.cmpi eq, %iota3A, %parallel_loop3A_683 : vector<16xi32>
      %parallel_loop3A_685 = arith.constant 0 : i32
      %parallel_loop3A_686 = vector.broadcast %parallel_loop3A_685 : i32 to vector<16xi32>
      %parallel_loop3A_687 = arith.cmpi slt, %xor3A_141, %parallel_loop3A_686 : vector<16xi32>
      %parallel_loop3A_688 = arith.constant 16 : i32
      %parallel_loop3A_689 = vector.broadcast %parallel_loop3A_688 : i32 to vector<16xi32>
      %parallel_loop3A_690 = arith.addi %xor3A_141, %parallel_loop3A_689 : vector<16xi32>
      %parallel_loop3A_691 = arith.select %parallel_loop3A_687, %parallel_loop3A_690, %xor3A_141 : vector<16xi1>, vector<16xi32>
      %parallel_loop3A_692 = vector.shape_cast %parallel_loop3A_691 : vector<16xi32> to vector<16x1xi32>
      %parallel_loop3A_693 = vector.shape_cast %parallel_loop3A_692 : vector<16x1xi32> to vector<16xi32>
      %parallel_loop3A_694 = tpu.dynamic_gather %parallel_loop3A_681[%parallel_loop3A_693] in [0] : vector<16xf32>, vector<16xi32> -> vector<16xf32>
      %parallel_loop3A_695 = arith.addf %parallel_loop3A_681, %parallel_loop3A_694 : vector<16xf32>
      %parallel_loop3A_696 = arith.constant 0 : i32
      %parallel_loop3A_697 = vector.broadcast %parallel_loop3A_696 : i32 to vector<16xi32>
      %parallel_loop3A_698 = arith.cmpi slt, %xor3A_144, %parallel_loop3A_697 : vector<16xi32>
      %parallel_loop3A_699 = arith.constant 16 : i32
      %parallel_loop3A_700 = vector.broadcast %parallel_loop3A_699 : i32 to vector<16xi32>
      %parallel_loop3A_701 = arith.addi %xor3A_144, %parallel_loop3A_700 : vector<16xi32>
      %parallel_loop3A_702 = arith.select %parallel_loop3A_698, %parallel_loop3A_701, %xor3A_144 : vector<16xi1>, vector<16xi32>
      %parallel_loop3A_703 = vector.shape_cast %parallel_loop3A_702 : vector<16xi32> to vector<16x1xi32>
      %parallel_loop3A_704 = vector.shape_cast %parallel_loop3A_703 : vector<16x1xi32> to vector<16xi32>
      %parallel_loop3A_705 = tpu.dynamic_gather %parallel_loop3A_695[%parallel_loop3A_704] in [0] : vector<16xf32>, vector<16xi32> -> vector<16xf32>
      %parallel_loop3A_706 = arith.addf %parallel_loop3A_695, %parallel_loop3A_705 : vector<16xf32>
      %parallel_loop3A_707 = arith.constant 0 : i32
      %parallel_loop3A_708 = vector.broadcast %parallel_loop3A_707 : i32 to vector<16xi32>
      %parallel_loop3A_709 = arith.cmpi slt, %xor3A_147, %parallel_loop3A_708 : vector<16xi32>
      %parallel_loop3A_710 = arith.constant 16 : i32
      %parallel_loop3A_711 = vector.broadcast %parallel_loop3A_710 : i32 to vector<16xi32>
      %parallel_loop3A_712 = arith.addi %xor3A_147, %parallel_loop3A_711 : vector<16xi32>
      %parallel_loop3A_713 = arith.select %parallel_loop3A_709, %parallel_loop3A_712, %xor3A_147 : vector<16xi1>, vector<16xi32>
      %parallel_loop3A_714 = vector.shape_cast %parallel_loop3A_713 : vector<16xi32> to vector<16x1xi32>
      %parallel_loop3A_715 = vector.shape_cast %parallel_loop3A_714 : vector<16x1xi32> to vector<16xi32>
      %parallel_loop3A_716 = tpu.dynamic_gather %parallel_loop3A_706[%parallel_loop3A_715] in [0] : vector<16xf32>, vector<16xi32> -> vector<16xf32>
      %parallel_loop3A_717 = arith.addf %parallel_loop3A_706, %parallel_loop3A_716 : vector<16xf32>
      %parallel_loop3A_718 = arith.constant 0 : i32
      %parallel_loop3A_719 = vector.broadcast %parallel_loop3A_718 : i32 to vector<16xi32>
      %parallel_loop3A_720 = arith.cmpi slt, %xor3A_150, %parallel_loop3A_719 : vector<16xi32>
      %parallel_loop3A_721 = arith.constant 16 : i32
      %parallel_loop3A_722 = vector.broadcast %parallel_loop3A_721 : i32 to vector<16xi32>
      %parallel_loop3A_723 = arith.addi %xor3A_150, %parallel_loop3A_722 : vector<16xi32>
      %parallel_loop3A_724 = arith.select %parallel_loop3A_720, %parallel_loop3A_723, %xor3A_150 : vector<16xi1>, vector<16xi32>
      %parallel_loop3A_725 = vector.shape_cast %parallel_loop3A_724 : vector<16xi32> to vector<16x1xi32>
      %parallel_loop3A_726 = vector.shape_cast %parallel_loop3A_725 : vector<16x1xi32> to vector<16xi32>
      %parallel_loop3A_727 = tpu.dynamic_gather %parallel_loop3A_717[%parallel_loop3A_726] in [0] : vector<16xf32>, vector<16xi32> -> vector<16xf32>
      %parallel_loop3A_728 = arith.addf %parallel_loop3A_717, %parallel_loop3A_727 : vector<16xf32>
      %parallel_loop3A_729 = arith.select %parallel_loop3A_684, %parallel_loop3A_728, %parallel_loop3A_626 : vector<16xi1>, vector<16xf32>
      %parallel_loop3A_730 = arith.constant 4 : i32
      %parallel_loop3A_731 = arith.index_cast %parallel_loop3A_730 : i32 to index
      %parallel_loop3A_732 = arith.index_cast %parallel_loop3A_291 : i32 to index
      %parallel_loop3A_733 = arith.constant 0 : index
      %parallel_loop3A_734 = tpu.vector_load %arg10[%parallel_loop3A_731, %parallel_loop3A_732, %parallel_loop3A_733] {strides = array<i32>} : memref<5x128x128xf32, #tpu.memory_space<vmem>>, vector<16xf32>,
      %parallel_loop3A_735 = arith.mulf %parallel_loop3A_294, %parallel_loop3A_734 : vector<16xf32>
      %parallel_loop3A_736 = arith.constant 4 : i32
      %parallel_loop3A_737 = arith.index_cast %parallel_loop3A_736 : i32 to index
      %parallel_loop3A_738 = arith.index_cast %parallel_loop3A_291 : i32 to index
      %parallel_loop3A_739 = arith.constant 16 : index
      %parallel_loop3A_740 = tpu.vector_load %arg10[%parallel_loop3A_737, %parallel_loop3A_738, %parallel_loop3A_739] {strides = array<i32>} : memref<5x128x128xf32, #tpu.memory_space<vmem>>, vector<16xf32>,
      %parallel_loop3A_741 = arith.mulf %parallel_loop3A_297, %parallel_loop3A_740 : vector<16xf32>
      %parallel_loop3A_742 = arith.addf %parallel_loop3A_735, %parallel_loop3A_741 : vector<16xf32>
      %parallel_loop3A_743 = arith.constant 4 : i32
      %parallel_loop3A_744 = arith.index_cast %parallel_loop3A_743 : i32 to index
      %parallel_loop3A_745 = arith.index_cast %parallel_loop3A_291 : i32 to index
      %parallel_loop3A_746 = arith.constant 32 : index
      %parallel_loop3A_747 = tpu.vector_load %arg10[%parallel_loop3A_744, %parallel_loop3A_745, %parallel_loop3A_746] {strides = array<i32>} : memref<5x128x128xf32, #tpu.memory_space<vmem>>, vector<16xf32>,
      %parallel_loop3A_748 = arith.mulf %parallel_loop3A_300, %parallel_loop3A_747 : vector<16xf32>
      %parallel_loop3A_749 = arith.addf %parallel_loop3A_742, %parallel_loop3A_748 : vector<16xf32>
      %parallel_loop3A_750 = arith.constant 4 : i32
      %parallel_loop3A_751 = arith.index_cast %parallel_loop3A_750 : i32 to index
      %parallel_loop3A_752 = arith.index_cast %parallel_loop3A_291 : i32 to index
      %parallel_loop3A_753 = arith.constant 48 : index
      %parallel_loop3A_754 = tpu.vector_load %arg10[%parallel_loop3A_751, %parallel_loop3A_752, %parallel_loop3A_753] {strides = array<i32>} : memref<5x128x128xf32, #tpu.memory_space<vmem>>, vector<16xf32>,
      %parallel_loop3A_755 = arith.mulf %parallel_loop3A_303, %parallel_loop3A_754 : vector<16xf32>
      %parallel_loop3A_756 = arith.addf %parallel_loop3A_749, %parallel_loop3A_755 : vector<16xf32>
      %parallel_loop3A_757 = arith.constant 4 : i32
      %parallel_loop3A_758 = arith.index_cast %parallel_loop3A_757 : i32 to index
      %parallel_loop3A_759 = arith.index_cast %parallel_loop3A_291 : i32 to index
      %parallel_loop3A_760 = arith.constant 64 : index
      %parallel_loop3A_761 = tpu.vector_load %arg10[%parallel_loop3A_758, %parallel_loop3A_759, %parallel_loop3A_760] {strides = array<i32>} : memref<5x128x128xf32, #tpu.memory_space<vmem>>, vector<16xf32>,
      %parallel_loop3A_762 = arith.mulf %parallel_loop3A_306, %parallel_loop3A_761 : vector<16xf32>
      %parallel_loop3A_763 = arith.addf %parallel_loop3A_756, %parallel_loop3A_762 : vector<16xf32>
      %parallel_loop3A_764 = arith.constant 4 : i32
      %parallel_loop3A_765 = arith.index_cast %parallel_loop3A_764 : i32 to index
      %parallel_loop3A_766 = arith.index_cast %parallel_loop3A_291 : i32 to index
      %parallel_loop3A_767 = arith.constant 80 : index
      %parallel_loop3A_768 = tpu.vector_load %arg10[%parallel_loop3A_765, %parallel_loop3A_766, %parallel_loop3A_767] {strides = array<i32>} : memref<5x128x128xf32, #tpu.memory_space<vmem>>, vector<16xf32>,
      %parallel_loop3A_769 = arith.mulf %parallel_loop3A_309, %parallel_loop3A_768 : vector<16xf32>
      %parallel_loop3A_770 = arith.addf %parallel_loop3A_763, %parallel_loop3A_769 : vector<16xf32>
      %parallel_loop3A_771 = arith.constant 4 : i32
      %parallel_loop3A_772 = arith.index_cast %parallel_loop3A_771 : i32 to index
      %parallel_loop3A_773 = arith.index_cast %parallel_loop3A_291 : i32 to index
      %parallel_loop3A_774 = arith.constant 96 : index
      %parallel_loop3A_775 = tpu.vector_load %arg10[%parallel_loop3A_772, %parallel_loop3A_773, %parallel_loop3A_774] {strides = array<i32>} : memref<5x128x128xf32, #tpu.memory_space<vmem>>, vector<16xf32>,
      %parallel_loop3A_776 = arith.mulf %parallel_loop3A_312, %parallel_loop3A_775 : vector<16xf32>
      %parallel_loop3A_777 = arith.addf %parallel_loop3A_770, %parallel_loop3A_776 : vector<16xf32>
      %parallel_loop3A_778 = arith.constant 4 : i32
      %parallel_loop3A_779 = arith.index_cast %parallel_loop3A_778 : i32 to index
      %parallel_loop3A_780 = arith.index_cast %parallel_loop3A_291 : i32 to index
      %parallel_loop3A_781 = arith.constant 112 : index
      %parallel_loop3A_782 = tpu.vector_load %arg10[%parallel_loop3A_779, %parallel_loop3A_780, %parallel_loop3A_781] {strides = array<i32>} : memref<5x128x128xf32, #tpu.memory_space<vmem>>, vector<16xf32>,
      %parallel_loop3A_783 = arith.mulf %parallel_loop3A_315, %parallel_loop3A_782 : vector<16xf32>
      %parallel_loop3A_784 = arith.addf %parallel_loop3A_777, %parallel_loop3A_783 : vector<16xf32>
      %parallel_loop3A_785 = arith.constant 4 : i32
      %parallel_loop3A_786 = vector.broadcast %parallel_loop3A_785 : i32 to vector<16xi32>
      %parallel_loop3A_787 = arith.cmpi eq, %iota3A, %parallel_loop3A_786 : vector<16xi32>
      %parallel_loop3A_788 = arith.constant 0 : i32
      %parallel_loop3A_789 = vector.broadcast %parallel_loop3A_788 : i32 to vector<16xi32>
      %parallel_loop3A_790 = arith.cmpi slt, %xor3A_141, %parallel_loop3A_789 : vector<16xi32>
      %parallel_loop3A_791 = arith.constant 16 : i32
      %parallel_loop3A_792 = vector.broadcast %parallel_loop3A_791 : i32 to vector<16xi32>
      %parallel_loop3A_793 = arith.addi %xor3A_141, %parallel_loop3A_792 : vector<16xi32>
      %parallel_loop3A_794 = arith.select %parallel_loop3A_790, %parallel_loop3A_793, %xor3A_141 : vector<16xi1>, vector<16xi32>
      %parallel_loop3A_795 = vector.shape_cast %parallel_loop3A_794 : vector<16xi32> to vector<16x1xi32>
      %parallel_loop3A_796 = vector.shape_cast %parallel_loop3A_795 : vector<16x1xi32> to vector<16xi32>
      %parallel_loop3A_797 = tpu.dynamic_gather %parallel_loop3A_784[%parallel_loop3A_796] in [0] : vector<16xf32>, vector<16xi32> -> vector<16xf32>
      %parallel_loop3A_798 = arith.addf %parallel_loop3A_784, %parallel_loop3A_797 : vector<16xf32>
      %parallel_loop3A_799 = arith.constant 0 : i32
      %parallel_loop3A_800 = vector.broadcast %parallel_loop3A_799 : i32 to vector<16xi32>
      %parallel_loop3A_801 = arith.cmpi slt, %xor3A_144, %parallel_loop3A_800 : vector<16xi32>
      %parallel_loop3A_802 = arith.constant 16 : i32
      %parallel_loop3A_803 = vector.broadcast %parallel_loop3A_802 : i32 to vector<16xi32>
      %parallel_loop3A_804 = arith.addi %xor3A_144, %parallel_loop3A_803 : vector<16xi32>
      %parallel_loop3A_805 = arith.select %parallel_loop3A_801, %parallel_loop3A_804, %xor3A_144 : vector<16xi1>, vector<16xi32>
      %parallel_loop3A_806 = vector.shape_cast %parallel_loop3A_805 : vector<16xi32> to vector<16x1xi32>
      %parallel_loop3A_807 = vector.shape_cast %parallel_loop3A_806 : vector<16x1xi32> to vector<16xi32>
      %parallel_loop3A_808 = tpu.dynamic_gather %parallel_loop3A_798[%parallel_loop3A_807] in [0] : vector<16xf32>, vector<16xi32> -> vector<16xf32>
      %parallel_loop3A_809 = arith.addf %parallel_loop3A_798, %parallel_loop3A_808 : vector<16xf32>
      %parallel_loop3A_810 = arith.constant 0 : i32
      %parallel_loop3A_811 = vector.broadcast %parallel_loop3A_810 : i32 to vector<16xi32>
      %parallel_loop3A_812 = arith.cmpi slt, %xor3A_147, %parallel_loop3A_811 : vector<16xi32>
      %parallel_loop3A_813 = arith.constant 16 : i32
      %parallel_loop3A_814 = vector.broadcast %parallel_loop3A_813 : i32 to vector<16xi32>
      %parallel_loop3A_815 = arith.addi %xor3A_147, %parallel_loop3A_814 : vector<16xi32>
      %parallel_loop3A_816 = arith.select %parallel_loop3A_812, %parallel_loop3A_815, %xor3A_147 : vector<16xi1>, vector<16xi32>
      %parallel_loop3A_817 = vector.shape_cast %parallel_loop3A_816 : vector<16xi32> to vector<16x1xi32>
      %parallel_loop3A_818 = vector.shape_cast %parallel_loop3A_817 : vector<16x1xi32> to vector<16xi32>
      %parallel_loop3A_819 = tpu.dynamic_gather %parallel_loop3A_809[%parallel_loop3A_818] in [0] : vector<16xf32>, vector<16xi32> -> vector<16xf32>
      %parallel_loop3A_820 = arith.addf %parallel_loop3A_809, %parallel_loop3A_819 : vector<16xf32>
      %parallel_loop3A_821 = arith.constant 0 : i32
      %parallel_loop3A_822 = vector.broadcast %parallel_loop3A_821 : i32 to vector<16xi32>
      %parallel_loop3A_823 = arith.cmpi slt, %xor3A_150, %parallel_loop3A_822 : vector<16xi32>
      %parallel_loop3A_824 = arith.constant 16 : i32
      %parallel_loop3A_825 = vector.broadcast %parallel_loop3A_824 : i32 to vector<16xi32>
      %parallel_loop3A_826 = arith.addi %xor3A_150, %parallel_loop3A_825 : vector<16xi32>
      %parallel_loop3A_827 = arith.select %parallel_loop3A_823, %parallel_loop3A_826, %xor3A_150 : vector<16xi1>, vector<16xi32>
      %parallel_loop3A_828 = vector.shape_cast %parallel_loop3A_827 : vector<16xi32> to vector<16x1xi32>
      %parallel_loop3A_829 = vector.shape_cast %parallel_loop3A_828 : vector<16x1xi32> to vector<16xi32>
      %parallel_loop3A_830 = tpu.dynamic_gather %parallel_loop3A_820[%parallel_loop3A_829] in [0] : vector<16xf32>, vector<16xi32> -> vector<16xf32>
      %parallel_loop3A_831 = arith.addf %parallel_loop3A_820, %parallel_loop3A_830 : vector<16xf32>
      %parallel_loop3A_832 = arith.select %parallel_loop3A_787, %parallel_loop3A_831, %parallel_loop3A_729 : vector<16xi1>, vector<16xf32>
      %parallel_loop3A_833 = vector.broadcast %parallel_loop3A_291 : i32 to vector<16xi32>
      tpu.vector_store_idx %arg11[%parallel_loop3A_833, %iota3A], %parallel_loop3A_832 masked %lt3A_139 : memref<128x5xf32, #tpu.memory_space<vmem>>[vector<16xi32>, vector<16xi32>], vector<16xf32>, vector<16xi1>
    } {sc.loop_unroll_factor = 1 : i64, sc.parallel_access}
    %dma_wait3A_220 = arith.constant 64 : i32
    %dma_wait3A_221 = arith.constant 0 : i32
    %dma_wait3A_222 = tpu.memref_slice %arg9[%dma_wait3A_220, %dma_wait3A_221] : memref<128x128xf32, #tpu.memory_space<vmem>> -> memref<64x128xf32, #tpu.memory_space<vmem>>
    %dma_wait3A_223 = arith.constant 64 : i32
    %dma_wait3A_224 = tpu.memref_slice %arg7[%dma_wait3A_223] : memref<128xi32, #tpu.memory_space<vmem>> -> memref<64xi32, #tpu.memory_space<vmem>>
    %dma_wait3A_225 = arith.constant 0 : i32
    %dma_wait3A_226 = arith.constant 0 : i32
    %dma_wait3A_227 = tpu.memref_slice %arg4[%dma_wait3A_225, %dma_wait3A_226] : memref<100000x128xf32, #tpu.memory_space<hbm>> -> memref<100000x128xf32, #tpu.memory_space<hbm>>
    tpu.wait_indirect_dma semaphore(%arg12 : memref<!tpu.dma_semaphore, #tpu.memory_space<semaphore_mem>>) src(%dma_wait3A_227 : memref<100000x128xf32, #tpu.memory_space<hbm>>) dst(%dma_wait3A_222 : memref<64x128xf32, #tpu.memory_space<vmem>>)
    %dma_wait3A_228 = arith.constant 0 : i32
    %dma_wait3A_229 = arith.constant 0 : i32
    %dma_wait3A_230 = arith.constant 64 : i32
    %dma_wait3A_231 = arith.constant 0 : i32
    %dma_wait3A_232 = tpu.memref_slice %arg10[%dma_wait3A_229, %dma_wait3A_230, %dma_wait3A_231] : memref<5x128x128xf32, #tpu.memory_space<vmem>> -> memref<1x64x128xf32, #tpu.memory_space<vmem>>
    %dma_wait3A_233 = tpu.memref_squeeze %dma_wait3A_232 : memref<1x64x128xf32, #tpu.memory_space<vmem>> -> memref<64x128xf32, #tpu.memory_space<vmem>>
    %dma_wait3A_234 = arith.constant 64 : i32
    %dma_wait3A_235 = tpu.memref_slice %arg8[%dma_wait3A_228, %dma_wait3A_234] : memref<5x128xi32, #tpu.memory_space<vmem>> -> memref<1x64xi32, #tpu.memory_space<vmem>>
    %dma_wait3A_236 = tpu.memref_squeeze %dma_wait3A_235 : memref<1x64xi32, #tpu.memory_space<vmem>> -> memref<64xi32, #tpu.memory_space<vmem>>
    %dma_wait3A_237 = arith.constant 0 : i32
    %dma_wait3A_238 = arith.constant 0 : i32
    %dma_wait3A_239 = tpu.memref_slice %arg5[%dma_wait3A_237, %dma_wait3A_238] : memref<100000x128xf32, #tpu.memory_space<hbm>> -> memref<100000x128xf32, #tpu.memory_space<hbm>>
    tpu.wait_indirect_dma semaphore(%arg12 : memref<!tpu.dma_semaphore, #tpu.memory_space<semaphore_mem>>) src(%dma_wait3A_239 : memref<100000x128xf32, #tpu.memory_space<hbm>>) dst(%dma_wait3A_233 : memref<64x128xf32, #tpu.memory_space<vmem>>)
    %dma_wait3A_240 = arith.constant 1 : i32
    %dma_wait3A_241 = arith.constant 1 : i32
    %dma_wait3A_242 = arith.constant 64 : i32
    %dma_wait3A_243 = arith.constant 0 : i32
    %dma_wait3A_244 = tpu.memref_slice %arg10[%dma_wait3A_241, %dma_wait3A_242, %dma_wait3A_243] : memref<5x128x128xf32, #tpu.memory_space<vmem>> -> memref<1x64x128xf32, #tpu.memory_space<vmem>>
    %dma_wait3A_245 = tpu.memref_squeeze %dma_wait3A_244 : memref<1x64x128xf32, #tpu.memory_space<vmem>> -> memref<64x128xf32, #tpu.memory_space<vmem>>
    %dma_wait3A_246 = arith.constant 64 : i32
    %dma_wait3A_247 = tpu.memref_slice %arg8[%dma_wait3A_240, %dma_wait3A_246] : memref<5x128xi32, #tpu.memory_space<vmem>> -> memref<1x64xi32, #tpu.memory_space<vmem>>
    %dma_wait3A_248 = tpu.memref_squeeze %dma_wait3A_247 : memref<1x64xi32, #tpu.memory_space<vmem>> -> memref<64xi32, #tpu.memory_space<vmem>>
    %dma_wait3A_249 = arith.constant 0 : i32
    %dma_wait3A_250 = arith.constant 0 : i32
    %dma_wait3A_251 = tpu.memref_slice %arg5[%dma_wait3A_249, %dma_wait3A_250] : memref<100000x128xf32, #tpu.memory_space<hbm>> -> memref<100000x128xf32, #tpu.memory_space<hbm>>
    tpu.wait_indirect_dma semaphore(%arg12 : memref<!tpu.dma_semaphore, #tpu.memory_space<semaphore_mem>>) src(%dma_wait3A_251 : memref<100000x128xf32, #tpu.memory_space<hbm>>) dst(%dma_wait3A_245 : memref<64x128xf32, #tpu.memory_space<vmem>>)
    %dma_wait3A_252 = arith.constant 2 : i32
    %dma_wait3A_253 = arith.constant 2 : i32
    %dma_wait3A_254 = arith.constant 64 : i32
    %dma_wait3A_255 = arith.constant 0 : i32
    %dma_wait3A_256 = tpu.memref_slice %arg10[%dma_wait3A_253, %dma_wait3A_254, %dma_wait3A_255] : memref<5x128x128xf32, #tpu.memory_space<vmem>> -> memref<1x64x128xf32, #tpu.memory_space<vmem>>
    %dma_wait3A_257 = tpu.memref_squeeze %dma_wait3A_256 : memref<1x64x128xf32, #tpu.memory_space<vmem>> -> memref<64x128xf32, #tpu.memory_space<vmem>>
    %dma_wait3A_258 = arith.constant 64 : i32
    %dma_wait3A_259 = tpu.memref_slice %arg8[%dma_wait3A_252, %dma_wait3A_258] : memref<5x128xi32, #tpu.memory_space<vmem>> -> memref<1x64xi32, #tpu.memory_space<vmem>>
    %dma_wait3A_260 = tpu.memref_squeeze %dma_wait3A_259 : memref<1x64xi32, #tpu.memory_space<vmem>> -> memref<64xi32, #tpu.memory_space<vmem>>
    %dma_wait3A_261 = arith.constant 0 : i32
    %dma_wait3A_262 = arith.constant 0 : i32
    %dma_wait3A_263 = tpu.memref_slice %arg5[%dma_wait3A_261, %dma_wait3A_262] : memref<100000x128xf32, #tpu.memory_space<hbm>> -> memref<100000x128xf32, #tpu.memory_space<hbm>>
    tpu.wait_indirect_dma semaphore(%arg12 : memref<!tpu.dma_semaphore, #tpu.memory_space<semaphore_mem>>) src(%dma_wait3A_263 : memref<100000x128xf32, #tpu.memory_space<hbm>>) dst(%dma_wait3A_257 : memref<64x128xf32, #tpu.memory_space<vmem>>)
    %dma_wait3A_264 = arith.constant 3 : i32
    %dma_wait3A_265 = arith.constant 3 : i32
    %dma_wait3A_266 = arith.constant 64 : i32
    %dma_wait3A_267 = arith.constant 0 : i32
    %dma_wait3A_268 = tpu.memref_slice %arg10[%dma_wait3A_265, %dma_wait3A_266, %dma_wait3A_267] : memref<5x128x128xf32, #tpu.memory_space<vmem>> -> memref<1x64x128xf32, #tpu.memory_space<vmem>>
    %dma_wait3A_269 = tpu.memref_squeeze %dma_wait3A_268 : memref<1x64x128xf32, #tpu.memory_space<vmem>> -> memref<64x128xf32, #tpu.memory_space<vmem>>
    %dma_wait3A_270 = arith.constant 64 : i32
    %dma_wait3A_271 = tpu.memref_slice %arg8[%dma_wait3A_264, %dma_wait3A_270] : memref<5x128xi32, #tpu.memory_space<vmem>> -> memref<1x64xi32, #tpu.memory_space<vmem>>
    %dma_wait3A_272 = tpu.memref_squeeze %dma_wait3A_271 : memref<1x64xi32, #tpu.memory_space<vmem>> -> memref<64xi32, #tpu.memory_space<vmem>>
    %dma_wait3A_273 = arith.constant 0 : i32
    %dma_wait3A_274 = arith.constant 0 : i32
    %dma_wait3A_275 = tpu.memref_slice %arg5[%dma_wait3A_273, %dma_wait3A_274] : memref<100000x128xf32, #tpu.memory_space<hbm>> -> memref<100000x128xf32, #tpu.memory_space<hbm>>
    tpu.wait_indirect_dma semaphore(%arg12 : memref<!tpu.dma_semaphore, #tpu.memory_space<semaphore_mem>>) src(%dma_wait3A_275 : memref<100000x128xf32, #tpu.memory_space<hbm>>) dst(%dma_wait3A_269 : memref<64x128xf32, #tpu.memory_space<vmem>>)
    %dma_wait3A_276 = arith.constant 4 : i32
    %dma_wait3A_277 = arith.constant 4 : i32
    %dma_wait3A_278 = arith.constant 64 : i32
    %dma_wait3A_279 = arith.constant 0 : i32
    %dma_wait3A_280 = tpu.memref_slice %arg10[%dma_wait3A_277, %dma_wait3A_278, %dma_wait3A_279] : memref<5x128x128xf32, #tpu.memory_space<vmem>> -> memref<1x64x128xf32, #tpu.memory_space<vmem>>
    %dma_wait3A_281 = tpu.memref_squeeze %dma_wait3A_280 : memref<1x64x128xf32, #tpu.memory_space<vmem>> -> memref<64x128xf32, #tpu.memory_space<vmem>>
    %dma_wait3A_282 = arith.constant 64 : i32
    %dma_wait3A_283 = tpu.memref_slice %arg8[%dma_wait3A_276, %dma_wait3A_282] : memref<5x128xi32, #tpu.memory_space<vmem>> -> memref<1x64xi32, #tpu.memory_space<vmem>>
    %dma_wait3A_284 = tpu.memref_squeeze %dma_wait3A_283 : memref<1x64xi32, #tpu.memory_space<vmem>> -> memref<64xi32, #tpu.memory_space<vmem>>
    %dma_wait3A_285 = arith.constant 0 : i32
    %dma_wait3A_286 = arith.constant 0 : i32
    %dma_wait3A_287 = tpu.memref_slice %arg5[%dma_wait3A_285, %dma_wait3A_286] : memref<100000x128xf32, #tpu.memory_space<hbm>> -> memref<100000x128xf32, #tpu.memory_space<hbm>>
    tpu.wait_indirect_dma semaphore(%arg12 : memref<!tpu.dma_semaphore, #tpu.memory_space<semaphore_mem>>) src(%dma_wait3A_287 : memref<100000x128xf32, #tpu.memory_space<hbm>>) dst(%dma_wait3A_281 : memref<64x128xf32, #tpu.memory_space<vmem>>)
    %parallel_loop3A_288 = arith.constant 64 : i32
    %parallel_loop3A_289 = arith.constant 128 : i32
    %parallel_loop3A_290 = arith.constant 1 : i32
    scf.for %parallel_loop3A_291 = %parallel_loop3A_288 to %parallel_loop3A_289 step %parallel_loop3A_290  : i32 {
      %parallel_loop3A_292 = arith.index_cast %parallel_loop3A_291 : i32 to index
      %parallel_loop3A_293 = arith.constant 0 : index
      %parallel_loop3A_294 = tpu.vector_load %arg9[%parallel_loop3A_292, %parallel_loop3A_293] {strides = array<i32>} : memref<128x128xf32, #tpu.memory_space<vmem>>, vector<16xf32>,
      %parallel_loop3A_295 = arith.index_cast %parallel_loop3A_291 : i32 to index
      %parallel_loop3A_296 = arith.constant 16 : index
      %parallel_loop3A_297 = tpu.vector_load %arg9[%parallel_loop3A_295, %parallel_loop3A_296] {strides = array<i32>} : memref<128x128xf32, #tpu.memory_space<vmem>>, vector<16xf32>,
      %parallel_loop3A_298 = arith.index_cast %parallel_loop3A_291 : i32 to index
      %parallel_loop3A_299 = arith.constant 32 : index
      %parallel_loop3A_300 = tpu.vector_load %arg9[%parallel_loop3A_298, %parallel_loop3A_299] {strides = array<i32>} : memref<128x128xf32, #tpu.memory_space<vmem>>, vector<16xf32>,
      %parallel_loop3A_301 = arith.index_cast %parallel_loop3A_291 : i32 to index
      %parallel_loop3A_302 = arith.constant 48 : index
      %parallel_loop3A_303 = tpu.vector_load %arg9[%parallel_loop3A_301, %parallel_loop3A_302] {strides = array<i32>} : memref<128x128xf32, #tpu.memory_space<vmem>>, vector<16xf32>,
      %parallel_loop3A_304 = arith.index_cast %parallel_loop3A_291 : i32 to index
      %parallel_loop3A_305 = arith.constant 64 : index
      %parallel_loop3A_306 = tpu.vector_load %arg9[%parallel_loop3A_304, %parallel_loop3A_305] {strides = array<i32>} : memref<128x128xf32, #tpu.memory_space<vmem>>, vector<16xf32>,
      %parallel_loop3A_307 = arith.index_cast %parallel_loop3A_291 : i32 to index
      %parallel_loop3A_308 = arith.constant 80 : index
      %parallel_loop3A_309 = tpu.vector_load %arg9[%parallel_loop3A_307, %parallel_loop3A_308] {strides = array<i32>} : memref<128x128xf32, #tpu.memory_space<vmem>>, vector<16xf32>,
      %parallel_loop3A_310 = arith.index_cast %parallel_loop3A_291 : i32 to index
      %parallel_loop3A_311 = arith.constant 96 : index
      %parallel_loop3A_312 = tpu.vector_load %arg9[%parallel_loop3A_310, %parallel_loop3A_311] {strides = array<i32>} : memref<128x128xf32, #tpu.memory_space<vmem>>, vector<16xf32>,
      %parallel_loop3A_313 = arith.index_cast %parallel_loop3A_291 : i32 to index
      %parallel_loop3A_314 = arith.constant 112 : index
      %parallel_loop3A_315 = tpu.vector_load %arg9[%parallel_loop3A_313, %parallel_loop3A_314] {strides = array<i32>} : memref<128x128xf32, #tpu.memory_space<vmem>>, vector<16xf32>,
      %parallel_loop3A_316 = arith.constant 0.000000e+00 : f32
      %parallel_loop3A_317 = vector.broadcast %parallel_loop3A_316 : f32 to vector<16xf32>
      %parallel_loop3A_318 = arith.constant 0 : i32
      %parallel_loop3A_319 = arith.index_cast %parallel_loop3A_318 : i32 to index
      %parallel_loop3A_320 = arith.index_cast %parallel_loop3A_291 : i32 to index
      %parallel_loop3A_321 = arith.constant 0 : index
      %parallel_loop3A_322 = tpu.vector_load %arg10[%parallel_loop3A_319, %parallel_loop3A_320, %parallel_loop3A_321] {strides = array<i32>} : memref<5x128x128xf32, #tpu.memory_space<vmem>>, vector<16xf32>,
      %parallel_loop3A_323 = arith.mulf %parallel_loop3A_294, %parallel_loop3A_322 : vector<16xf32>
      %parallel_loop3A_324 = arith.constant 0 : i32
      %parallel_loop3A_325 = arith.index_cast %parallel_loop3A_324 : i32 to index
      %parallel_loop3A_326 = arith.index_cast %parallel_loop3A_291 : i32 to index
      %parallel_loop3A_327 = arith.constant 16 : index
      %parallel_loop3A_328 = tpu.vector_load %arg10[%parallel_loop3A_325, %parallel_loop3A_326, %parallel_loop3A_327] {strides = array<i32>} : memref<5x128x128xf32, #tpu.memory_space<vmem>>, vector<16xf32>,
      %parallel_loop3A_329 = arith.mulf %parallel_loop3A_297, %parallel_loop3A_328 : vector<16xf32>
      %parallel_loop3A_330 = arith.addf %parallel_loop3A_323, %parallel_loop3A_329 : vector<16xf32>
      %parallel_loop3A_331 = arith.constant 0 : i32
      %parallel_loop3A_332 = arith.index_cast %parallel_loop3A_331 : i32 to index
      %parallel_loop3A_333 = arith.index_cast %parallel_loop3A_291 : i32 to index
      %parallel_loop3A_334 = arith.constant 32 : index
      %parallel_loop3A_335 = tpu.vector_load %arg10[%parallel_loop3A_332, %parallel_loop3A_333, %parallel_loop3A_334] {strides = array<i32>} : memref<5x128x128xf32, #tpu.memory_space<vmem>>, vector<16xf32>,
      %parallel_loop3A_336 = arith.mulf %parallel_loop3A_300, %parallel_loop3A_335 : vector<16xf32>
      %parallel_loop3A_337 = arith.addf %parallel_loop3A_330, %parallel_loop3A_336 : vector<16xf32>
      %parallel_loop3A_338 = arith.constant 0 : i32
      %parallel_loop3A_339 = arith.index_cast %parallel_loop3A_338 : i32 to index
      %parallel_loop3A_340 = arith.index_cast %parallel_loop3A_291 : i32 to index
      %parallel_loop3A_341 = arith.constant 48 : index
      %parallel_loop3A_342 = tpu.vector_load %arg10[%parallel_loop3A_339, %parallel_loop3A_340, %parallel_loop3A_341] {strides = array<i32>} : memref<5x128x128xf32, #tpu.memory_space<vmem>>, vector<16xf32>,
      %parallel_loop3A_343 = arith.mulf %parallel_loop3A_303, %parallel_loop3A_342 : vector<16xf32>
      %parallel_loop3A_344 = arith.addf %parallel_loop3A_337, %parallel_loop3A_343 : vector<16xf32>
      %parallel_loop3A_345 = arith.constant 0 : i32
      %parallel_loop3A_346 = arith.index_cast %parallel_loop3A_345 : i32 to index
      %parallel_loop3A_347 = arith.index_cast %parallel_loop3A_291 : i32 to index
      %parallel_loop3A_348 = arith.constant 64 : index
      %parallel_loop3A_349 = tpu.vector_load %arg10[%parallel_loop3A_346, %parallel_loop3A_347, %parallel_loop3A_348] {strides = array<i32>} : memref<5x128x128xf32, #tpu.memory_space<vmem>>, vector<16xf32>,
      %parallel_loop3A_350 = arith.mulf %parallel_loop3A_306, %parallel_loop3A_349 : vector<16xf32>
      %parallel_loop3A_351 = arith.addf %parallel_loop3A_344, %parallel_loop3A_350 : vector<16xf32>
      %parallel_loop3A_352 = arith.constant 0 : i32
      %parallel_loop3A_353 = arith.index_cast %parallel_loop3A_352 : i32 to index
      %parallel_loop3A_354 = arith.index_cast %parallel_loop3A_291 : i32 to index
      %parallel_loop3A_355 = arith.constant 80 : index
      %parallel_loop3A_356 = tpu.vector_load %arg10[%parallel_loop3A_353, %parallel_loop3A_354, %parallel_loop3A_355] {strides = array<i32>} : memref<5x128x128xf32, #tpu.memory_space<vmem>>, vector<16xf32>,
      %parallel_loop3A_357 = arith.mulf %parallel_loop3A_309, %parallel_loop3A_356 : vector<16xf32>
      %parallel_loop3A_358 = arith.addf %parallel_loop3A_351, %parallel_loop3A_357 : vector<16xf32>
      %parallel_loop3A_359 = arith.constant 0 : i32
      %parallel_loop3A_360 = arith.index_cast %parallel_loop3A_359 : i32 to index
      %parallel_loop3A_361 = arith.index_cast %parallel_loop3A_291 : i32 to index
      %parallel_loop3A_362 = arith.constant 96 : index
      %parallel_loop3A_363 = tpu.vector_load %arg10[%parallel_loop3A_360, %parallel_loop3A_361, %parallel_loop3A_362] {strides = array<i32>} : memref<5x128x128xf32, #tpu.memory_space<vmem>>, vector<16xf32>,
      %parallel_loop3A_364 = arith.mulf %parallel_loop3A_312, %parallel_loop3A_363 : vector<16xf32>
      %parallel_loop3A_365 = arith.addf %parallel_loop3A_358, %parallel_loop3A_364 : vector<16xf32>
      %parallel_loop3A_366 = arith.constant 0 : i32
      %parallel_loop3A_367 = arith.index_cast %parallel_loop3A_366 : i32 to index
      %parallel_loop3A_368 = arith.index_cast %parallel_loop3A_291 : i32 to index
      %parallel_loop3A_369 = arith.constant 112 : index
      %parallel_loop3A_370 = tpu.vector_load %arg10[%parallel_loop3A_367, %parallel_loop3A_368, %parallel_loop3A_369] {strides = array<i32>} : memref<5x128x128xf32, #tpu.memory_space<vmem>>, vector<16xf32>,
      %parallel_loop3A_371 = arith.mulf %parallel_loop3A_315, %parallel_loop3A_370 : vector<16xf32>
      %parallel_loop3A_372 = arith.addf %parallel_loop3A_365, %parallel_loop3A_371 : vector<16xf32>
      %parallel_loop3A_373 = arith.constant 0 : i32
      %parallel_loop3A_374 = vector.broadcast %parallel_loop3A_373 : i32 to vector<16xi32>
      %parallel_loop3A_375 = arith.cmpi eq, %iota3A, %parallel_loop3A_374 : vector<16xi32>
      %parallel_loop3A_376 = arith.constant 0 : i32
      %parallel_loop3A_377 = vector.broadcast %parallel_loop3A_376 : i32 to vector<16xi32>
      %parallel_loop3A_378 = arith.cmpi slt, %xor3A_141, %parallel_loop3A_377 : vector<16xi32>
      %parallel_loop3A_379 = arith.constant 16 : i32
      %parallel_loop3A_380 = vector.broadcast %parallel_loop3A_379 : i32 to vector<16xi32>
      %parallel_loop3A_381 = arith.addi %xor3A_141, %parallel_loop3A_380 : vector<16xi32>
      %parallel_loop3A_382 = arith.select %parallel_loop3A_378, %parallel_loop3A_381, %xor3A_141 : vector<16xi1>, vector<16xi32>
      %parallel_loop3A_383 = vector.shape_cast %parallel_loop3A_382 : vector<16xi32> to vector<16x1xi32>
      %parallel_loop3A_384 = vector.shape_cast %parallel_loop3A_383 : vector<16x1xi32> to vector<16xi32>
      %parallel_loop3A_385 = tpu.dynamic_gather %parallel_loop3A_372[%parallel_loop3A_384] in [0] : vector<16xf32>, vector<16xi32> -> vector<16xf32>
      %parallel_loop3A_386 = arith.addf %parallel_loop3A_372, %parallel_loop3A_385 : vector<16xf32>
      %parallel_loop3A_387 = arith.constant 0 : i32
      %parallel_loop3A_388 = vector.broadcast %parallel_loop3A_387 : i32 to vector<16xi32>
      %parallel_loop3A_389 = arith.cmpi slt, %xor3A_144, %parallel_loop3A_388 : vector<16xi32>
      %parallel_loop3A_390 = arith.constant 16 : i32
      %parallel_loop3A_391 = vector.broadcast %parallel_loop3A_390 : i32 to vector<16xi32>
      %parallel_loop3A_392 = arith.addi %xor3A_144, %parallel_loop3A_391 : vector<16xi32>
      %parallel_loop3A_393 = arith.select %parallel_loop3A_389, %parallel_loop3A_392, %xor3A_144 : vector<16xi1>, vector<16xi32>
      %parallel_loop3A_394 = vector.shape_cast %parallel_loop3A_393 : vector<16xi32> to vector<16x1xi32>
      %parallel_loop3A_395 = vector.shape_cast %parallel_loop3A_394 : vector<16x1xi32> to vector<16xi32>
      %parallel_loop3A_396 = tpu.dynamic_gather %parallel_loop3A_386[%parallel_loop3A_395] in [0] : vector<16xf32>, vector<16xi32> -> vector<16xf32>
      %parallel_loop3A_397 = arith.addf %parallel_loop3A_386, %parallel_loop3A_396 : vector<16xf32>
      %parallel_loop3A_398 = arith.constant 0 : i32
      %parallel_loop3A_399 = vector.broadcast %parallel_loop3A_398 : i32 to vector<16xi32>
      %parallel_loop3A_400 = arith.cmpi slt, %xor3A_147, %parallel_loop3A_399 : vector<16xi32>
      %parallel_loop3A_401 = arith.constant 16 : i32
      %parallel_loop3A_402 = vector.broadcast %parallel_loop3A_401 : i32 to vector<16xi32>
      %parallel_loop3A_403 = arith.addi %xor3A_147, %parallel_loop3A_402 : vector<16xi32>
      %parallel_loop3A_404 = arith.select %parallel_loop3A_400, %parallel_loop3A_403, %xor3A_147 : vector<16xi1>, vector<16xi32>
      %parallel_loop3A_405 = vector.shape_cast %parallel_loop3A_404 : vector<16xi32> to vector<16x1xi32>
      %parallel_loop3A_406 = vector.shape_cast %parallel_loop3A_405 : vector<16x1xi32> to vector<16xi32>
      %parallel_loop3A_407 = tpu.dynamic_gather %parallel_loop3A_397[%parallel_loop3A_406] in [0] : vector<16xf32>, vector<16xi32> -> vector<16xf32>
      %parallel_loop3A_408 = arith.addf %parallel_loop3A_397, %parallel_loop3A_407 : vector<16xf32>
      %parallel_loop3A_409 = arith.constant 0 : i32
      %parallel_loop3A_410 = vector.broadcast %parallel_loop3A_409 : i32 to vector<16xi32>
      %parallel_loop3A_411 = arith.cmpi slt, %xor3A_150, %parallel_loop3A_410 : vector<16xi32>
      %parallel_loop3A_412 = arith.constant 16 : i32
      %parallel_loop3A_413 = vector.broadcast %parallel_loop3A_412 : i32 to vector<16xi32>
      %parallel_loop3A_414 = arith.addi %xor3A_150, %parallel_loop3A_413 : vector<16xi32>
      %parallel_loop3A_415 = arith.select %parallel_loop3A_411, %parallel_loop3A_414, %xor3A_150 : vector<16xi1>, vector<16xi32>
      %parallel_loop3A_416 = vector.shape_cast %parallel_loop3A_415 : vector<16xi32> to vector<16x1xi32>
      %parallel_loop3A_417 = vector.shape_cast %parallel_loop3A_416 : vector<16x1xi32> to vector<16xi32>
      %parallel_loop3A_418 = tpu.dynamic_gather %parallel_loop3A_408[%parallel_loop3A_417] in [0] : vector<16xf32>, vector<16xi32> -> vector<16xf32>
      %parallel_loop3A_419 = arith.addf %parallel_loop3A_408, %parallel_loop3A_418 : vector<16xf32>
      %parallel_loop3A_420 = arith.select %parallel_loop3A_375, %parallel_loop3A_419, %parallel_loop3A_317 : vector<16xi1>, vector<16xf32>
      %parallel_loop3A_421 = arith.constant 1 : i32
      %parallel_loop3A_422 = arith.index_cast %parallel_loop3A_421 : i32 to index
      %parallel_loop3A_423 = arith.index_cast %parallel_loop3A_291 : i32 to index
      %parallel_loop3A_424 = arith.constant 0 : index
      %parallel_loop3A_425 = tpu.vector_load %arg10[%parallel_loop3A_422, %parallel_loop3A_423, %parallel_loop3A_424] {strides = array<i32>} : memref<5x128x128xf32, #tpu.memory_space<vmem>>, vector<16xf32>,
      %parallel_loop3A_426 = arith.mulf %parallel_loop3A_294, %parallel_loop3A_425 : vector<16xf32>
      %parallel_loop3A_427 = arith.constant 1 : i32
      %parallel_loop3A_428 = arith.index_cast %parallel_loop3A_427 : i32 to index
      %parallel_loop3A_429 = arith.index_cast %parallel_loop3A_291 : i32 to index
      %parallel_loop3A_430 = arith.constant 16 : index
      %parallel_loop3A_431 = tpu.vector_load %arg10[%parallel_loop3A_428, %parallel_loop3A_429, %parallel_loop3A_430] {strides = array<i32>} : memref<5x128x128xf32, #tpu.memory_space<vmem>>, vector<16xf32>,
      %parallel_loop3A_432 = arith.mulf %parallel_loop3A_297, %parallel_loop3A_431 : vector<16xf32>
      %parallel_loop3A_433 = arith.addf %parallel_loop3A_426, %parallel_loop3A_432 : vector<16xf32>
      %parallel_loop3A_434 = arith.constant 1 : i32
      %parallel_loop3A_435 = arith.index_cast %parallel_loop3A_434 : i32 to index
      %parallel_loop3A_436 = arith.index_cast %parallel_loop3A_291 : i32 to index
      %parallel_loop3A_437 = arith.constant 32 : index
      %parallel_loop3A_438 = tpu.vector_load %arg10[%parallel_loop3A_435, %parallel_loop3A_436, %parallel_loop3A_437] {strides = array<i32>} : memref<5x128x128xf32, #tpu.memory_space<vmem>>, vector<16xf32>,
      %parallel_loop3A_439 = arith.mulf %parallel_loop3A_300, %parallel_loop3A_438 : vector<16xf32>
      %parallel_loop3A_440 = arith.addf %parallel_loop3A_433, %parallel_loop3A_439 : vector<16xf32>
      %parallel_loop3A_441 = arith.constant 1 : i32
      %parallel_loop3A_442 = arith.index_cast %parallel_loop3A_441 : i32 to index
      %parallel_loop3A_443 = arith.index_cast %parallel_loop3A_291 : i32 to index
      %parallel_loop3A_444 = arith.constant 48 : index
      %parallel_loop3A_445 = tpu.vector_load %arg10[%parallel_loop3A_442, %parallel_loop3A_443, %parallel_loop3A_444] {strides = array<i32>} : memref<5x128x128xf32, #tpu.memory_space<vmem>>, vector<16xf32>,
      %parallel_loop3A_446 = arith.mulf %parallel_loop3A_303, %parallel_loop3A_445 : vector<16xf32>
      %parallel_loop3A_447 = arith.addf %parallel_loop3A_440, %parallel_loop3A_446 : vector<16xf32>
      %parallel_loop3A_448 = arith.constant 1 : i32
      %parallel_loop3A_449 = arith.index_cast %parallel_loop3A_448 : i32 to index
      %parallel_loop3A_450 = arith.index_cast %parallel_loop3A_291 : i32 to index
      %parallel_loop3A_451 = arith.constant 64 : index
      %parallel_loop3A_452 = tpu.vector_load %arg10[%parallel_loop3A_449, %parallel_loop3A_450, %parallel_loop3A_451] {strides = array<i32>} : memref<5x128x128xf32, #tpu.memory_space<vmem>>, vector<16xf32>,
      %parallel_loop3A_453 = arith.mulf %parallel_loop3A_306, %parallel_loop3A_452 : vector<16xf32>
      %parallel_loop3A_454 = arith.addf %parallel_loop3A_447, %parallel_loop3A_453 : vector<16xf32>
      %parallel_loop3A_455 = arith.constant 1 : i32
      %parallel_loop3A_456 = arith.index_cast %parallel_loop3A_455 : i32 to index
      %parallel_loop3A_457 = arith.index_cast %parallel_loop3A_291 : i32 to index
      %parallel_loop3A_458 = arith.constant 80 : index
      %parallel_loop3A_459 = tpu.vector_load %arg10[%parallel_loop3A_456, %parallel_loop3A_457, %parallel_loop3A_458] {strides = array<i32>} : memref<5x128x128xf32, #tpu.memory_space<vmem>>, vector<16xf32>,
      %parallel_loop3A_460 = arith.mulf %parallel_loop3A_309, %parallel_loop3A_459 : vector<16xf32>
      %parallel_loop3A_461 = arith.addf %parallel_loop3A_454, %parallel_loop3A_460 : vector<16xf32>
      %parallel_loop3A_462 = arith.constant 1 : i32
      %parallel_loop3A_463 = arith.index_cast %parallel_loop3A_462 : i32 to index
      %parallel_loop3A_464 = arith.index_cast %parallel_loop3A_291 : i32 to index
      %parallel_loop3A_465 = arith.constant 96 : index
      %parallel_loop3A_466 = tpu.vector_load %arg10[%parallel_loop3A_463, %parallel_loop3A_464, %parallel_loop3A_465] {strides = array<i32>} : memref<5x128x128xf32, #tpu.memory_space<vmem>>, vector<16xf32>,
      %parallel_loop3A_467 = arith.mulf %parallel_loop3A_312, %parallel_loop3A_466 : vector<16xf32>
      %parallel_loop3A_468 = arith.addf %parallel_loop3A_461, %parallel_loop3A_467 : vector<16xf32>
      %parallel_loop3A_469 = arith.constant 1 : i32
      %parallel_loop3A_470 = arith.index_cast %parallel_loop3A_469 : i32 to index
      %parallel_loop3A_471 = arith.index_cast %parallel_loop3A_291 : i32 to index
      %parallel_loop3A_472 = arith.constant 112 : index
      %parallel_loop3A_473 = tpu.vector_load %arg10[%parallel_loop3A_470, %parallel_loop3A_471, %parallel_loop3A_472] {strides = array<i32>} : memref<5x128x128xf32, #tpu.memory_space<vmem>>, vector<16xf32>,
      %parallel_loop3A_474 = arith.mulf %parallel_loop3A_315, %parallel_loop3A_473 : vector<16xf32>
      %parallel_loop3A_475 = arith.addf %parallel_loop3A_468, %parallel_loop3A_474 : vector<16xf32>
      %parallel_loop3A_476 = arith.constant 1 : i32
      %parallel_loop3A_477 = vector.broadcast %parallel_loop3A_476 : i32 to vector<16xi32>
      %parallel_loop3A_478 = arith.cmpi eq, %iota3A, %parallel_loop3A_477 : vector<16xi32>
      %parallel_loop3A_479 = arith.constant 0 : i32
      %parallel_loop3A_480 = vector.broadcast %parallel_loop3A_479 : i32 to vector<16xi32>
      %parallel_loop3A_481 = arith.cmpi slt, %xor3A_141, %parallel_loop3A_480 : vector<16xi32>
      %parallel_loop3A_482 = arith.constant 16 : i32
      %parallel_loop3A_483 = vector.broadcast %parallel_loop3A_482 : i32 to vector<16xi32>
      %parallel_loop3A_484 = arith.addi %xor3A_141, %parallel_loop3A_483 : vector<16xi32>
      %parallel_loop3A_485 = arith.select %parallel_loop3A_481, %parallel_loop3A_484, %xor3A_141 : vector<16xi1>, vector<16xi32>
      %parallel_loop3A_486 = vector.shape_cast %parallel_loop3A_485 : vector<16xi32> to vector<16x1xi32>
      %parallel_loop3A_487 = vector.shape_cast %parallel_loop3A_486 : vector<16x1xi32> to vector<16xi32>
      %parallel_loop3A_488 = tpu.dynamic_gather %parallel_loop3A_475[%parallel_loop3A_487] in [0] : vector<16xf32>, vector<16xi32> -> vector<16xf32>
      %parallel_loop3A_489 = arith.addf %parallel_loop3A_475, %parallel_loop3A_488 : vector<16xf32>
      %parallel_loop3A_490 = arith.constant 0 : i32
      %parallel_loop3A_491 = vector.broadcast %parallel_loop3A_490 : i32 to vector<16xi32>
      %parallel_loop3A_492 = arith.cmpi slt, %xor3A_144, %parallel_loop3A_491 : vector<16xi32>
      %parallel_loop3A_493 = arith.constant 16 : i32
      %parallel_loop3A_494 = vector.broadcast %parallel_loop3A_493 : i32 to vector<16xi32>
      %parallel_loop3A_495 = arith.addi %xor3A_144, %parallel_loop3A_494 : vector<16xi32>
      %parallel_loop3A_496 = arith.select %parallel_loop3A_492, %parallel_loop3A_495, %xor3A_144 : vector<16xi1>, vector<16xi32>
      %parallel_loop3A_497 = vector.shape_cast %parallel_loop3A_496 : vector<16xi32> to vector<16x1xi32>
      %parallel_loop3A_498 = vector.shape_cast %parallel_loop3A_497 : vector<16x1xi32> to vector<16xi32>
      %parallel_loop3A_499 = tpu.dynamic_gather %parallel_loop3A_489[%parallel_loop3A_498] in [0] : vector<16xf32>, vector<16xi32> -> vector<16xf32>
      %parallel_loop3A_500 = arith.addf %parallel_loop3A_489, %parallel_loop3A_499 : vector<16xf32>
      %parallel_loop3A_501 = arith.constant 0 : i32
      %parallel_loop3A_502 = vector.broadcast %parallel_loop3A_501 : i32 to vector<16xi32>
      %parallel_loop3A_503 = arith.cmpi slt, %xor3A_147, %parallel_loop3A_502 : vector<16xi32>
      %parallel_loop3A_504 = arith.constant 16 : i32
      %parallel_loop3A_505 = vector.broadcast %parallel_loop3A_504 : i32 to vector<16xi32>
      %parallel_loop3A_506 = arith.addi %xor3A_147, %parallel_loop3A_505 : vector<16xi32>
      %parallel_loop3A_507 = arith.select %parallel_loop3A_503, %parallel_loop3A_506, %xor3A_147 : vector<16xi1>, vector<16xi32>
      %parallel_loop3A_508 = vector.shape_cast %parallel_loop3A_507 : vector<16xi32> to vector<16x1xi32>
      %parallel_loop3A_509 = vector.shape_cast %parallel_loop3A_508 : vector<16x1xi32> to vector<16xi32>
      %parallel_loop3A_510 = tpu.dynamic_gather %parallel_loop3A_500[%parallel_loop3A_509] in [0] : vector<16xf32>, vector<16xi32> -> vector<16xf32>
      %parallel_loop3A_511 = arith.addf %parallel_loop3A_500, %parallel_loop3A_510 : vector<16xf32>
      %parallel_loop3A_512 = arith.constant 0 : i32
      %parallel_loop3A_513 = vector.broadcast %parallel_loop3A_512 : i32 to vector<16xi32>
      %parallel_loop3A_514 = arith.cmpi slt, %xor3A_150, %parallel_loop3A_513 : vector<16xi32>
      %parallel_loop3A_515 = arith.constant 16 : i32
      %parallel_loop3A_516 = vector.broadcast %parallel_loop3A_515 : i32 to vector<16xi32>
      %parallel_loop3A_517 = arith.addi %xor3A_150, %parallel_loop3A_516 : vector<16xi32>
      %parallel_loop3A_518 = arith.select %parallel_loop3A_514, %parallel_loop3A_517, %xor3A_150 : vector<16xi1>, vector<16xi32>
      %parallel_loop3A_519 = vector.shape_cast %parallel_loop3A_518 : vector<16xi32> to vector<16x1xi32>
      %parallel_loop3A_520 = vector.shape_cast %parallel_loop3A_519 : vector<16x1xi32> to vector<16xi32>
      %parallel_loop3A_521 = tpu.dynamic_gather %parallel_loop3A_511[%parallel_loop3A_520] in [0] : vector<16xf32>, vector<16xi32> -> vector<16xf32>
      %parallel_loop3A_522 = arith.addf %parallel_loop3A_511, %parallel_loop3A_521 : vector<16xf32>
      %parallel_loop3A_523 = arith.select %parallel_loop3A_478, %parallel_loop3A_522, %parallel_loop3A_420 : vector<16xi1>, vector<16xf32>
      %parallel_loop3A_524 = arith.constant 2 : i32
      %parallel_loop3A_525 = arith.index_cast %parallel_loop3A_524 : i32 to index
      %parallel_loop3A_526 = arith.index_cast %parallel_loop3A_291 : i32 to index
      %parallel_loop3A_527 = arith.constant 0 : index
      %parallel_loop3A_528 = tpu.vector_load %arg10[%parallel_loop3A_525, %parallel_loop3A_526, %parallel_loop3A_527] {strides = array<i32>} : memref<5x128x128xf32, #tpu.memory_space<vmem>>, vector<16xf32>,
      %parallel_loop3A_529 = arith.mulf %parallel_loop3A_294, %parallel_loop3A_528 : vector<16xf32>
      %parallel_loop3A_530 = arith.constant 2 : i32
      %parallel_loop3A_531 = arith.index_cast %parallel_loop3A_530 : i32 to index
      %parallel_loop3A_532 = arith.index_cast %parallel_loop3A_291 : i32 to index
      %parallel_loop3A_533 = arith.constant 16 : index
      %parallel_loop3A_534 = tpu.vector_load %arg10[%parallel_loop3A_531, %parallel_loop3A_532, %parallel_loop3A_533] {strides = array<i32>} : memref<5x128x128xf32, #tpu.memory_space<vmem>>, vector<16xf32>,
      %parallel_loop3A_535 = arith.mulf %parallel_loop3A_297, %parallel_loop3A_534 : vector<16xf32>
      %parallel_loop3A_536 = arith.addf %parallel_loop3A_529, %parallel_loop3A_535 : vector<16xf32>
      %parallel_loop3A_537 = arith.constant 2 : i32
      %parallel_loop3A_538 = arith.index_cast %parallel_loop3A_537 : i32 to index
      %parallel_loop3A_539 = arith.index_cast %parallel_loop3A_291 : i32 to index
      %parallel_loop3A_540 = arith.constant 32 : index
      %parallel_loop3A_541 = tpu.vector_load %arg10[%parallel_loop3A_538, %parallel_loop3A_539, %parallel_loop3A_540] {strides = array<i32>} : memref<5x128x128xf32, #tpu.memory_space<vmem>>, vector<16xf32>,
      %parallel_loop3A_542 = arith.mulf %parallel_loop3A_300, %parallel_loop3A_541 : vector<16xf32>
      %parallel_loop3A_543 = arith.addf %parallel_loop3A_536, %parallel_loop3A_542 : vector<16xf32>
      %parallel_loop3A_544 = arith.constant 2 : i32
      %parallel_loop3A_545 = arith.index_cast %parallel_loop3A_544 : i32 to index
      %parallel_loop3A_546 = arith.index_cast %parallel_loop3A_291 : i32 to index
      %parallel_loop3A_547 = arith.constant 48 : index
      %parallel_loop3A_548 = tpu.vector_load %arg10[%parallel_loop3A_545, %parallel_loop3A_546, %parallel_loop3A_547] {strides = array<i32>} : memref<5x128x128xf32, #tpu.memory_space<vmem>>, vector<16xf32>,
      %parallel_loop3A_549 = arith.mulf %parallel_loop3A_303, %parallel_loop3A_548 : vector<16xf32>
      %parallel_loop3A_550 = arith.addf %parallel_loop3A_543, %parallel_loop3A_549 : vector<16xf32>
      %parallel_loop3A_551 = arith.constant 2 : i32
      %parallel_loop3A_552 = arith.index_cast %parallel_loop3A_551 : i32 to index
      %parallel_loop3A_553 = arith.index_cast %parallel_loop3A_291 : i32 to index
      %parallel_loop3A_554 = arith.constant 64 : index
      %parallel_loop3A_555 = tpu.vector_load %arg10[%parallel_loop3A_552, %parallel_loop3A_553, %parallel_loop3A_554] {strides = array<i32>} : memref<5x128x128xf32, #tpu.memory_space<vmem>>, vector<16xf32>,
      %parallel_loop3A_556 = arith.mulf %parallel_loop3A_306, %parallel_loop3A_555 : vector<16xf32>
      %parallel_loop3A_557 = arith.addf %parallel_loop3A_550, %parallel_loop3A_556 : vector<16xf32>
      %parallel_loop3A_558 = arith.constant 2 : i32
      %parallel_loop3A_559 = arith.index_cast %parallel_loop3A_558 : i32 to index
      %parallel_loop3A_560 = arith.index_cast %parallel_loop3A_291 : i32 to index
      %parallel_loop3A_561 = arith.constant 80 : index
      %parallel_loop3A_562 = tpu.vector_load %arg10[%parallel_loop3A_559, %parallel_loop3A_560, %parallel_loop3A_561] {strides = array<i32>} : memref<5x128x128xf32, #tpu.memory_space<vmem>>, vector<16xf32>,
      %parallel_loop3A_563 = arith.mulf %parallel_loop3A_309, %parallel_loop3A_562 : vector<16xf32>
      %parallel_loop3A_564 = arith.addf %parallel_loop3A_557, %parallel_loop3A_563 : vector<16xf32>
      %parallel_loop3A_565 = arith.constant 2 : i32
      %parallel_loop3A_566 = arith.index_cast %parallel_loop3A_565 : i32 to index
      %parallel_loop3A_567 = arith.index_cast %parallel_loop3A_291 : i32 to index
      %parallel_loop3A_568 = arith.constant 96 : index
      %parallel_loop3A_569 = tpu.vector_load %arg10[%parallel_loop3A_566, %parallel_loop3A_567, %parallel_loop3A_568] {strides = array<i32>} : memref<5x128x128xf32, #tpu.memory_space<vmem>>, vector<16xf32>,
      %parallel_loop3A_570 = arith.mulf %parallel_loop3A_312, %parallel_loop3A_569 : vector<16xf32>
      %parallel_loop3A_571 = arith.addf %parallel_loop3A_564, %parallel_loop3A_570 : vector<16xf32>
      %parallel_loop3A_572 = arith.constant 2 : i32
      %parallel_loop3A_573 = arith.index_cast %parallel_loop3A_572 : i32 to index
      %parallel_loop3A_574 = arith.index_cast %parallel_loop3A_291 : i32 to index
      %parallel_loop3A_575 = arith.constant 112 : index
      %parallel_loop3A_576 = tpu.vector_load %arg10[%parallel_loop3A_573, %parallel_loop3A_574, %parallel_loop3A_575] {strides = array<i32>} : memref<5x128x128xf32, #tpu.memory_space<vmem>>, vector<16xf32>,
      %parallel_loop3A_577 = arith.mulf %parallel_loop3A_315, %parallel_loop3A_576 : vector<16xf32>
      %parallel_loop3A_578 = arith.addf %parallel_loop3A_571, %parallel_loop3A_577 : vector<16xf32>
      %parallel_loop3A_579 = arith.constant 2 : i32
      %parallel_loop3A_580 = vector.broadcast %parallel_loop3A_579 : i32 to vector<16xi32>
      %parallel_loop3A_581 = arith.cmpi eq, %iota3A, %parallel_loop3A_580 : vector<16xi32>
      %parallel_loop3A_582 = arith.constant 0 : i32
      %parallel_loop3A_583 = vector.broadcast %parallel_loop3A_582 : i32 to vector<16xi32>
      %parallel_loop3A_584 = arith.cmpi slt, %xor3A_141, %parallel_loop3A_583 : vector<16xi32>
      %parallel_loop3A_585 = arith.constant 16 : i32
      %parallel_loop3A_586 = vector.broadcast %parallel_loop3A_585 : i32 to vector<16xi32>
      %parallel_loop3A_587 = arith.addi %xor3A_141, %parallel_loop3A_586 : vector<16xi32>
      %parallel_loop3A_588 = arith.select %parallel_loop3A_584, %parallel_loop3A_587, %xor3A_141 : vector<16xi1>, vector<16xi32>
      %parallel_loop3A_589 = vector.shape_cast %parallel_loop3A_588 : vector<16xi32> to vector<16x1xi32>
      %parallel_loop3A_590 = vector.shape_cast %parallel_loop3A_589 : vector<16x1xi32> to vector<16xi32>
      %parallel_loop3A_591 = tpu.dynamic_gather %parallel_loop3A_578[%parallel_loop3A_590] in [0] : vector<16xf32>, vector<16xi32> -> vector<16xf32>
      %parallel_loop3A_592 = arith.addf %parallel_loop3A_578, %parallel_loop3A_591 : vector<16xf32>
      %parallel_loop3A_593 = arith.constant 0 : i32
      %parallel_loop3A_594 = vector.broadcast %parallel_loop3A_593 : i32 to vector<16xi32>
      %parallel_loop3A_595 = arith.cmpi slt, %xor3A_144, %parallel_loop3A_594 : vector<16xi32>
      %parallel_loop3A_596 = arith.constant 16 : i32
      %parallel_loop3A_597 = vector.broadcast %parallel_loop3A_596 : i32 to vector<16xi32>
      %parallel_loop3A_598 = arith.addi %xor3A_144, %parallel_loop3A_597 : vector<16xi32>
      %parallel_loop3A_599 = arith.select %parallel_loop3A_595, %parallel_loop3A_598, %xor3A_144 : vector<16xi1>, vector<16xi32>
      %parallel_loop3A_600 = vector.shape_cast %parallel_loop3A_599 : vector<16xi32> to vector<16x1xi32>
      %parallel_loop3A_601 = vector.shape_cast %parallel_loop3A_600 : vector<16x1xi32> to vector<16xi32>
      %parallel_loop3A_602 = tpu.dynamic_gather %parallel_loop3A_592[%parallel_loop3A_601] in [0] : vector<16xf32>, vector<16xi32> -> vector<16xf32>
      %parallel_loop3A_603 = arith.addf %parallel_loop3A_592, %parallel_loop3A_602 : vector<16xf32>
      %parallel_loop3A_604 = arith.constant 0 : i32
      %parallel_loop3A_605 = vector.broadcast %parallel_loop3A_604 : i32 to vector<16xi32>
      %parallel_loop3A_606 = arith.cmpi slt, %xor3A_147, %parallel_loop3A_605 : vector<16xi32>
      %parallel_loop3A_607 = arith.constant 16 : i32
      %parallel_loop3A_608 = vector.broadcast %parallel_loop3A_607 : i32 to vector<16xi32>
      %parallel_loop3A_609 = arith.addi %xor3A_147, %parallel_loop3A_608 : vector<16xi32>
      %parallel_loop3A_610 = arith.select %parallel_loop3A_606, %parallel_loop3A_609, %xor3A_147 : vector<16xi1>, vector<16xi32>
      %parallel_loop3A_611 = vector.shape_cast %parallel_loop3A_610 : vector<16xi32> to vector<16x1xi32>
      %parallel_loop3A_612 = vector.shape_cast %parallel_loop3A_611 : vector<16x1xi32> to vector<16xi32>
      %parallel_loop3A_613 = tpu.dynamic_gather %parallel_loop3A_603[%parallel_loop3A_612] in [0] : vector<16xf32>, vector<16xi32> -> vector<16xf32>
      %parallel_loop3A_614 = arith.addf %parallel_loop3A_603, %parallel_loop3A_613 : vector<16xf32>
      %parallel_loop3A_615 = arith.constant 0 : i32
      %parallel_loop3A_616 = vector.broadcast %parallel_loop3A_615 : i32 to vector<16xi32>
      %parallel_loop3A_617 = arith.cmpi slt, %xor3A_150, %parallel_loop3A_616 : vector<16xi32>
      %parallel_loop3A_618 = arith.constant 16 : i32
      %parallel_loop3A_619 = vector.broadcast %parallel_loop3A_618 : i32 to vector<16xi32>
      %parallel_loop3A_620 = arith.addi %xor3A_150, %parallel_loop3A_619 : vector<16xi32>
      %parallel_loop3A_621 = arith.select %parallel_loop3A_617, %parallel_loop3A_620, %xor3A_150 : vector<16xi1>, vector<16xi32>
      %parallel_loop3A_622 = vector.shape_cast %parallel_loop3A_621 : vector<16xi32> to vector<16x1xi32>
      %parallel_loop3A_623 = vector.shape_cast %parallel_loop3A_622 : vector<16x1xi32> to vector<16xi32>
      %parallel_loop3A_624 = tpu.dynamic_gather %parallel_loop3A_614[%parallel_loop3A_623] in [0] : vector<16xf32>, vector<16xi32> -> vector<16xf32>
      %parallel_loop3A_625 = arith.addf %parallel_loop3A_614, %parallel_loop3A_624 : vector<16xf32>
      %parallel_loop3A_626 = arith.select %parallel_loop3A_581, %parallel_loop3A_625, %parallel_loop3A_523 : vector<16xi1>, vector<16xf32>
      %parallel_loop3A_627 = arith.constant 3 : i32
      %parallel_loop3A_628 = arith.index_cast %parallel_loop3A_627 : i32 to index
      %parallel_loop3A_629 = arith.index_cast %parallel_loop3A_291 : i32 to index
      %parallel_loop3A_630 = arith.constant 0 : index
      %parallel_loop3A_631 = tpu.vector_load %arg10[%parallel_loop3A_628, %parallel_loop3A_629, %parallel_loop3A_630] {strides = array<i32>} : memref<5x128x128xf32, #tpu.memory_space<vmem>>, vector<16xf32>,
      %parallel_loop3A_632 = arith.mulf %parallel_loop3A_294, %parallel_loop3A_631 : vector<16xf32>
      %parallel_loop3A_633 = arith.constant 3 : i32
      %parallel_loop3A_634 = arith.index_cast %parallel_loop3A_633 : i32 to index
      %parallel_loop3A_635 = arith.index_cast %parallel_loop3A_291 : i32 to index
      %parallel_loop3A_636 = arith.constant 16 : index
      %parallel_loop3A_637 = tpu.vector_load %arg10[%parallel_loop3A_634, %parallel_loop3A_635, %parallel_loop3A_636] {strides = array<i32>} : memref<5x128x128xf32, #tpu.memory_space<vmem>>, vector<16xf32>,
      %parallel_loop3A_638 = arith.mulf %parallel_loop3A_297, %parallel_loop3A_637 : vector<16xf32>
      %parallel_loop3A_639 = arith.addf %parallel_loop3A_632, %parallel_loop3A_638 : vector<16xf32>
      %parallel_loop3A_640 = arith.constant 3 : i32
      %parallel_loop3A_641 = arith.index_cast %parallel_loop3A_640 : i32 to index
      %parallel_loop3A_642 = arith.index_cast %parallel_loop3A_291 : i32 to index
      %parallel_loop3A_643 = arith.constant 32 : index
      %parallel_loop3A_644 = tpu.vector_load %arg10[%parallel_loop3A_641, %parallel_loop3A_642, %parallel_loop3A_643] {strides = array<i32>} : memref<5x128x128xf32, #tpu.memory_space<vmem>>, vector<16xf32>,
      %parallel_loop3A_645 = arith.mulf %parallel_loop3A_300, %parallel_loop3A_644 : vector<16xf32>
      %parallel_loop3A_646 = arith.addf %parallel_loop3A_639, %parallel_loop3A_645 : vector<16xf32>
      %parallel_loop3A_647 = arith.constant 3 : i32
      %parallel_loop3A_648 = arith.index_cast %parallel_loop3A_647 : i32 to index
      %parallel_loop3A_649 = arith.index_cast %parallel_loop3A_291 : i32 to index
      %parallel_loop3A_650 = arith.constant 48 : index
      %parallel_loop3A_651 = tpu.vector_load %arg10[%parallel_loop3A_648, %parallel_loop3A_649, %parallel_loop3A_650] {strides = array<i32>} : memref<5x128x128xf32, #tpu.memory_space<vmem>>, vector<16xf32>,
      %parallel_loop3A_652 = arith.mulf %parallel_loop3A_303, %parallel_loop3A_651 : vector<16xf32>
      %parallel_loop3A_653 = arith.addf %parallel_loop3A_646, %parallel_loop3A_652 : vector<16xf32>
      %parallel_loop3A_654 = arith.constant 3 : i32
      %parallel_loop3A_655 = arith.index_cast %parallel_loop3A_654 : i32 to index
      %parallel_loop3A_656 = arith.index_cast %parallel_loop3A_291 : i32 to index
      %parallel_loop3A_657 = arith.constant 64 : index
      %parallel_loop3A_658 = tpu.vector_load %arg10[%parallel_loop3A_655, %parallel_loop3A_656, %parallel_loop3A_657] {strides = array<i32>} : memref<5x128x128xf32, #tpu.memory_space<vmem>>, vector<16xf32>,
      %parallel_loop3A_659 = arith.mulf %parallel_loop3A_306, %parallel_loop3A_658 : vector<16xf32>
      %parallel_loop3A_660 = arith.addf %parallel_loop3A_653, %parallel_loop3A_659 : vector<16xf32>
      %parallel_loop3A_661 = arith.constant 3 : i32
      %parallel_loop3A_662 = arith.index_cast %parallel_loop3A_661 : i32 to index
      %parallel_loop3A_663 = arith.index_cast %parallel_loop3A_291 : i32 to index
      %parallel_loop3A_664 = arith.constant 80 : index
      %parallel_loop3A_665 = tpu.vector_load %arg10[%parallel_loop3A_662, %parallel_loop3A_663, %parallel_loop3A_664] {strides = array<i32>} : memref<5x128x128xf32, #tpu.memory_space<vmem>>, vector<16xf32>,
      %parallel_loop3A_666 = arith.mulf %parallel_loop3A_309, %parallel_loop3A_665 : vector<16xf32>
      %parallel_loop3A_667 = arith.addf %parallel_loop3A_660, %parallel_loop3A_666 : vector<16xf32>
      %parallel_loop3A_668 = arith.constant 3 : i32
      %parallel_loop3A_669 = arith.index_cast %parallel_loop3A_668 : i32 to index
      %parallel_loop3A_670 = arith.index_cast %parallel_loop3A_291 : i32 to index
      %parallel_loop3A_671 = arith.constant 96 : index
      %parallel_loop3A_672 = tpu.vector_load %arg10[%parallel_loop3A_669, %parallel_loop3A_670, %parallel_loop3A_671] {strides = array<i32>} : memref<5x128x128xf32, #tpu.memory_space<vmem>>, vector<16xf32>,
      %parallel_loop3A_673 = arith.mulf %parallel_loop3A_312, %parallel_loop3A_672 : vector<16xf32>
      %parallel_loop3A_674 = arith.addf %parallel_loop3A_667, %parallel_loop3A_673 : vector<16xf32>
      %parallel_loop3A_675 = arith.constant 3 : i32
      %parallel_loop3A_676 = arith.index_cast %parallel_loop3A_675 : i32 to index
      %parallel_loop3A_677 = arith.index_cast %parallel_loop3A_291 : i32 to index
      %parallel_loop3A_678 = arith.constant 112 : index
      %parallel_loop3A_679 = tpu.vector_load %arg10[%parallel_loop3A_676, %parallel_loop3A_677, %parallel_loop3A_678] {strides = array<i32>} : memref<5x128x128xf32, #tpu.memory_space<vmem>>, vector<16xf32>,
      %parallel_loop3A_680 = arith.mulf %parallel_loop3A_315, %parallel_loop3A_679 : vector<16xf32>
      %parallel_loop3A_681 = arith.addf %parallel_loop3A_674, %parallel_loop3A_680 : vector<16xf32>
      %parallel_loop3A_682 = arith.constant 3 : i32
      %parallel_loop3A_683 = vector.broadcast %parallel_loop3A_682 : i32 to vector<16xi32>
      %parallel_loop3A_684 = arith.cmpi eq, %iota3A, %parallel_loop3A_683 : vector<16xi32>
      %parallel_loop3A_685 = arith.constant 0 : i32
      %parallel_loop3A_686 = vector.broadcast %parallel_loop3A_685 : i32 to vector<16xi32>
      %parallel_loop3A_687 = arith.cmpi slt, %xor3A_141, %parallel_loop3A_686 : vector<16xi32>
      %parallel_loop3A_688 = arith.constant 16 : i32
      %parallel_loop3A_689 = vector.broadcast %parallel_loop3A_688 : i32 to vector<16xi32>
      %parallel_loop3A_690 = arith.addi %xor3A_141, %parallel_loop3A_689 : vector<16xi32>
      %parallel_loop3A_691 = arith.select %parallel_loop3A_687, %parallel_loop3A_690, %xor3A_141 : vector<16xi1>, vector<16xi32>
      %parallel_loop3A_692 = vector.shape_cast %parallel_loop3A_691 : vector<16xi32> to vector<16x1xi32>
      %parallel_loop3A_693 = vector.shape_cast %parallel_loop3A_692 : vector<16x1xi32> to vector<16xi32>
      %parallel_loop3A_694 = tpu.dynamic_gather %parallel_loop3A_681[%parallel_loop3A_693] in [0] : vector<16xf32>, vector<16xi32> -> vector<16xf32>
      %parallel_loop3A_695 = arith.addf %parallel_loop3A_681, %parallel_loop3A_694 : vector<16xf32>
      %parallel_loop3A_696 = arith.constant 0 : i32
      %parallel_loop3A_697 = vector.broadcast %parallel_loop3A_696 : i32 to vector<16xi32>
      %parallel_loop3A_698 = arith.cmpi slt, %xor3A_144, %parallel_loop3A_697 : vector<16xi32>
      %parallel_loop3A_699 = arith.constant 16 : i32
      %parallel_loop3A_700 = vector.broadcast %parallel_loop3A_699 : i32 to vector<16xi32>
      %parallel_loop3A_701 = arith.addi %xor3A_144, %parallel_loop3A_700 : vector<16xi32>
      %parallel_loop3A_702 = arith.select %parallel_loop3A_698, %parallel_loop3A_701, %xor3A_144 : vector<16xi1>, vector<16xi32>
      %parallel_loop3A_703 = vector.shape_cast %parallel_loop3A_702 : vector<16xi32> to vector<16x1xi32>
      %parallel_loop3A_704 = vector.shape_cast %parallel_loop3A_703 : vector<16x1xi32> to vector<16xi32>
      %parallel_loop3A_705 = tpu.dynamic_gather %parallel_loop3A_695[%parallel_loop3A_704] in [0] : vector<16xf32>, vector<16xi32> -> vector<16xf32>
      %parallel_loop3A_706 = arith.addf %parallel_loop3A_695, %parallel_loop3A_705 : vector<16xf32>
      %parallel_loop3A_707 = arith.constant 0 : i32
      %parallel_loop3A_708 = vector.broadcast %parallel_loop3A_707 : i32 to vector<16xi32>
      %parallel_loop3A_709 = arith.cmpi slt, %xor3A_147, %parallel_loop3A_708 : vector<16xi32>
      %parallel_loop3A_710 = arith.constant 16 : i32
      %parallel_loop3A_711 = vector.broadcast %parallel_loop3A_710 : i32 to vector<16xi32>
      %parallel_loop3A_712 = arith.addi %xor3A_147, %parallel_loop3A_711 : vector<16xi32>
      %parallel_loop3A_713 = arith.select %parallel_loop3A_709, %parallel_loop3A_712, %xor3A_147 : vector<16xi1>, vector<16xi32>
      %parallel_loop3A_714 = vector.shape_cast %parallel_loop3A_713 : vector<16xi32> to vector<16x1xi32>
      %parallel_loop3A_715 = vector.shape_cast %parallel_loop3A_714 : vector<16x1xi32> to vector<16xi32>
      %parallel_loop3A_716 = tpu.dynamic_gather %parallel_loop3A_706[%parallel_loop3A_715] in [0] : vector<16xf32>, vector<16xi32> -> vector<16xf32>
      %parallel_loop3A_717 = arith.addf %parallel_loop3A_706, %parallel_loop3A_716 : vector<16xf32>
      %parallel_loop3A_718 = arith.constant 0 : i32
      %parallel_loop3A_719 = vector.broadcast %parallel_loop3A_718 : i32 to vector<16xi32>
      %parallel_loop3A_720 = arith.cmpi slt, %xor3A_150, %parallel_loop3A_719 : vector<16xi32>
      %parallel_loop3A_721 = arith.constant 16 : i32
      %parallel_loop3A_722 = vector.broadcast %parallel_loop3A_721 : i32 to vector<16xi32>
      %parallel_loop3A_723 = arith.addi %xor3A_150, %parallel_loop3A_722 : vector<16xi32>
      %parallel_loop3A_724 = arith.select %parallel_loop3A_720, %parallel_loop3A_723, %xor3A_150 : vector<16xi1>, vector<16xi32>
      %parallel_loop3A_725 = vector.shape_cast %parallel_loop3A_724 : vector<16xi32> to vector<16x1xi32>
      %parallel_loop3A_726 = vector.shape_cast %parallel_loop3A_725 : vector<16x1xi32> to vector<16xi32>
      %parallel_loop3A_727 = tpu.dynamic_gather %parallel_loop3A_717[%parallel_loop3A_726] in [0] : vector<16xf32>, vector<16xi32> -> vector<16xf32>
      %parallel_loop3A_728 = arith.addf %parallel_loop3A_717, %parallel_loop3A_727 : vector<16xf32>
      %parallel_loop3A_729 = arith.select %parallel_loop3A_684, %parallel_loop3A_728, %parallel_loop3A_626 : vector<16xi1>, vector<16xf32>
      %parallel_loop3A_730 = arith.constant 4 : i32
      %parallel_loop3A_731 = arith.index_cast %parallel_loop3A_730 : i32 to index
      %parallel_loop3A_732 = arith.index_cast %parallel_loop3A_291 : i32 to index
      %parallel_loop3A_733 = arith.constant 0 : index
      %parallel_loop3A_734 = tpu.vector_load %arg10[%parallel_loop3A_731, %parallel_loop3A_732, %parallel_loop3A_733] {strides = array<i32>} : memref<5x128x128xf32, #tpu.memory_space<vmem>>, vector<16xf32>,
      %parallel_loop3A_735 = arith.mulf %parallel_loop3A_294, %parallel_loop3A_734 : vector<16xf32>
      %parallel_loop3A_736 = arith.constant 4 : i32
      %parallel_loop3A_737 = arith.index_cast %parallel_loop3A_736 : i32 to index
      %parallel_loop3A_738 = arith.index_cast %parallel_loop3A_291 : i32 to index
      %parallel_loop3A_739 = arith.constant 16 : index
      %parallel_loop3A_740 = tpu.vector_load %arg10[%parallel_loop3A_737, %parallel_loop3A_738, %parallel_loop3A_739] {strides = array<i32>} : memref<5x128x128xf32, #tpu.memory_space<vmem>>, vector<16xf32>,
      %parallel_loop3A_741 = arith.mulf %parallel_loop3A_297, %parallel_loop3A_740 : vector<16xf32>
      %parallel_loop3A_742 = arith.addf %parallel_loop3A_735, %parallel_loop3A_741 : vector<16xf32>
      %parallel_loop3A_743 = arith.constant 4 : i32
      %parallel_loop3A_744 = arith.index_cast %parallel_loop3A_743 : i32 to index
      %parallel_loop3A_745 = arith.index_cast %parallel_loop3A_291 : i32 to index
      %parallel_loop3A_746 = arith.constant 32 : index
      %parallel_loop3A_747 = tpu.vector_load %arg10[%parallel_loop3A_744, %parallel_loop3A_745, %parallel_loop3A_746] {strides = array<i32>} : memref<5x128x128xf32, #tpu.memory_space<vmem>>, vector<16xf32>,
      %parallel_loop3A_748 = arith.mulf %parallel_loop3A_300, %parallel_loop3A_747 : vector<16xf32>
      %parallel_loop3A_749 = arith.addf %parallel_loop3A_742, %parallel_loop3A_748 : vector<16xf32>
      %parallel_loop3A_750 = arith.constant 4 : i32
      %parallel_loop3A_751 = arith.index_cast %parallel_loop3A_750 : i32 to index
      %parallel_loop3A_752 = arith.index_cast %parallel_loop3A_291 : i32 to index
      %parallel_loop3A_753 = arith.constant 48 : index
      %parallel_loop3A_754 = tpu.vector_load %arg10[%parallel_loop3A_751, %parallel_loop3A_752, %parallel_loop3A_753] {strides = array<i32>} : memref<5x128x128xf32, #tpu.memory_space<vmem>>, vector<16xf32>,
      %parallel_loop3A_755 = arith.mulf %parallel_loop3A_303, %parallel_loop3A_754 : vector<16xf32>
      %parallel_loop3A_756 = arith.addf %parallel_loop3A_749, %parallel_loop3A_755 : vector<16xf32>
      %parallel_loop3A_757 = arith.constant 4 : i32
      %parallel_loop3A_758 = arith.index_cast %parallel_loop3A_757 : i32 to index
      %parallel_loop3A_759 = arith.index_cast %parallel_loop3A_291 : i32 to index
      %parallel_loop3A_760 = arith.constant 64 : index
      %parallel_loop3A_761 = tpu.vector_load %arg10[%parallel_loop3A_758, %parallel_loop3A_759, %parallel_loop3A_760] {strides = array<i32>} : memref<5x128x128xf32, #tpu.memory_space<vmem>>, vector<16xf32>,
      %parallel_loop3A_762 = arith.mulf %parallel_loop3A_306, %parallel_loop3A_761 : vector<16xf32>
      %parallel_loop3A_763 = arith.addf %parallel_loop3A_756, %parallel_loop3A_762 : vector<16xf32>
      %parallel_loop3A_764 = arith.constant 4 : i32
      %parallel_loop3A_765 = arith.index_cast %parallel_loop3A_764 : i32 to index
      %parallel_loop3A_766 = arith.index_cast %parallel_loop3A_291 : i32 to index
      %parallel_loop3A_767 = arith.constant 80 : index
      %parallel_loop3A_768 = tpu.vector_load %arg10[%parallel_loop3A_765, %parallel_loop3A_766, %parallel_loop3A_767] {strides = array<i32>} : memref<5x128x128xf32, #tpu.memory_space<vmem>>, vector<16xf32>,
      %parallel_loop3A_769 = arith.mulf %parallel_loop3A_309, %parallel_loop3A_768 : vector<16xf32>
      %parallel_loop3A_770 = arith.addf %parallel_loop3A_763, %parallel_loop3A_769 : vector<16xf32>
      %parallel_loop3A_771 = arith.constant 4 : i32
      %parallel_loop3A_772 = arith.index_cast %parallel_loop3A_771 : i32 to index
      %parallel_loop3A_773 = arith.index_cast %parallel_loop3A_291 : i32 to index
      %parallel_loop3A_774 = arith.constant 96 : index
      %parallel_loop3A_775 = tpu.vector_load %arg10[%parallel_loop3A_772, %parallel_loop3A_773, %parallel_loop3A_774] {strides = array<i32>} : memref<5x128x128xf32, #tpu.memory_space<vmem>>, vector<16xf32>,
      %parallel_loop3A_776 = arith.mulf %parallel_loop3A_312, %parallel_loop3A_775 : vector<16xf32>
      %parallel_loop3A_777 = arith.addf %parallel_loop3A_770, %parallel_loop3A_776 : vector<16xf32>
      %parallel_loop3A_778 = arith.constant 4 : i32
      %parallel_loop3A_779 = arith.index_cast %parallel_loop3A_778 : i32 to index
      %parallel_loop3A_780 = arith.index_cast %parallel_loop3A_291 : i32 to index
      %parallel_loop3A_781 = arith.constant 112 : index
      %parallel_loop3A_782 = tpu.vector_load %arg10[%parallel_loop3A_779, %parallel_loop3A_780, %parallel_loop3A_781] {strides = array<i32>} : memref<5x128x128xf32, #tpu.memory_space<vmem>>, vector<16xf32>,
      %parallel_loop3A_783 = arith.mulf %parallel_loop3A_315, %parallel_loop3A_782 : vector<16xf32>
      %parallel_loop3A_784 = arith.addf %parallel_loop3A_777, %parallel_loop3A_783 : vector<16xf32>
      %parallel_loop3A_785 = arith.constant 4 : i32
      %parallel_loop3A_786 = vector.broadcast %parallel_loop3A_785 : i32 to vector<16xi32>
      %parallel_loop3A_787 = arith.cmpi eq, %iota3A, %parallel_loop3A_786 : vector<16xi32>
      %parallel_loop3A_788 = arith.constant 0 : i32
      %parallel_loop3A_789 = vector.broadcast %parallel_loop3A_788 : i32 to vector<16xi32>
      %parallel_loop3A_790 = arith.cmpi slt, %xor3A_141, %parallel_loop3A_789 : vector<16xi32>
      %parallel_loop3A_791 = arith.constant 16 : i32
      %parallel_loop3A_792 = vector.broadcast %parallel_loop3A_791 : i32 to vector<16xi32>
      %parallel_loop3A_793 = arith.addi %xor3A_141, %parallel_loop3A_792 : vector<16xi32>
      %parallel_loop3A_794 = arith.select %parallel_loop3A_790, %parallel_loop3A_793, %xor3A_141 : vector<16xi1>, vector<16xi32>
      %parallel_loop3A_795 = vector.shape_cast %parallel_loop3A_794 : vector<16xi32> to vector<16x1xi32>
      %parallel_loop3A_796 = vector.shape_cast %parallel_loop3A_795 : vector<16x1xi32> to vector<16xi32>
      %parallel_loop3A_797 = tpu.dynamic_gather %parallel_loop3A_784[%parallel_loop3A_796] in [0] : vector<16xf32>, vector<16xi32> -> vector<16xf32>
      %parallel_loop3A_798 = arith.addf %parallel_loop3A_784, %parallel_loop3A_797 : vector<16xf32>
      %parallel_loop3A_799 = arith.constant 0 : i32
      %parallel_loop3A_800 = vector.broadcast %parallel_loop3A_799 : i32 to vector<16xi32>
      %parallel_loop3A_801 = arith.cmpi slt, %xor3A_144, %parallel_loop3A_800 : vector<16xi32>
      %parallel_loop3A_802 = arith.constant 16 : i32
      %parallel_loop3A_803 = vector.broadcast %parallel_loop3A_802 : i32 to vector<16xi32>
      %parallel_loop3A_804 = arith.addi %xor3A_144, %parallel_loop3A_803 : vector<16xi32>
      %parallel_loop3A_805 = arith.select %parallel_loop3A_801, %parallel_loop3A_804, %xor3A_144 : vector<16xi1>, vector<16xi32>
      %parallel_loop3A_806 = vector.shape_cast %parallel_loop3A_805 : vector<16xi32> to vector<16x1xi32>
      %parallel_loop3A_807 = vector.shape_cast %parallel_loop3A_806 : vector<16x1xi32> to vector<16xi32>
      %parallel_loop3A_808 = tpu.dynamic_gather %parallel_loop3A_798[%parallel_loop3A_807] in [0] : vector<16xf32>, vector<16xi32> -> vector<16xf32>
      %parallel_loop3A_809 = arith.addf %parallel_loop3A_798, %parallel_loop3A_808 : vector<16xf32>
      %parallel_loop3A_810 = arith.constant 0 : i32
      %parallel_loop3A_811 = vector.broadcast %parallel_loop3A_810 : i32 to vector<16xi32>
      %parallel_loop3A_812 = arith.cmpi slt, %xor3A_147, %parallel_loop3A_811 : vector<16xi32>
      %parallel_loop3A_813 = arith.constant 16 : i32
      %parallel_loop3A_814 = vector.broadcast %parallel_loop3A_813 : i32 to vector<16xi32>
      %parallel_loop3A_815 = arith.addi %xor3A_147, %parallel_loop3A_814 : vector<16xi32>
      %parallel_loop3A_816 = arith.select %parallel_loop3A_812, %parallel_loop3A_815, %xor3A_147 : vector<16xi1>, vector<16xi32>
      %parallel_loop3A_817 = vector.shape_cast %parallel_loop3A_816 : vector<16xi32> to vector<16x1xi32>
      %parallel_loop3A_818 = vector.shape_cast %parallel_loop3A_817 : vector<16x1xi32> to vector<16xi32>
      %parallel_loop3A_819 = tpu.dynamic_gather %parallel_loop3A_809[%parallel_loop3A_818] in [0] : vector<16xf32>, vector<16xi32> -> vector<16xf32>
      %parallel_loop3A_820 = arith.addf %parallel_loop3A_809, %parallel_loop3A_819 : vector<16xf32>
      %parallel_loop3A_821 = arith.constant 0 : i32
      %parallel_loop3A_822 = vector.broadcast %parallel_loop3A_821 : i32 to vector<16xi32>
      %parallel_loop3A_823 = arith.cmpi slt, %xor3A_150, %parallel_loop3A_822 : vector<16xi32>
      %parallel_loop3A_824 = arith.constant 16 : i32
      %parallel_loop3A_825 = vector.broadcast %parallel_loop3A_824 : i32 to vector<16xi32>
      %parallel_loop3A_826 = arith.addi %xor3A_150, %parallel_loop3A_825 : vector<16xi32>
      %parallel_loop3A_827 = arith.select %parallel_loop3A_823, %parallel_loop3A_826, %xor3A_150 : vector<16xi1>, vector<16xi32>
      %parallel_loop3A_828 = vector.shape_cast %parallel_loop3A_827 : vector<16xi32> to vector<16x1xi32>
      %parallel_loop3A_829 = vector.shape_cast %parallel_loop3A_828 : vector<16x1xi32> to vector<16xi32>
      %parallel_loop3A_830 = tpu.dynamic_gather %parallel_loop3A_820[%parallel_loop3A_829] in [0] : vector<16xf32>, vector<16xi32> -> vector<16xf32>
      %parallel_loop3A_831 = arith.addf %parallel_loop3A_820, %parallel_loop3A_830 : vector<16xf32>
      %parallel_loop3A_832 = arith.select %parallel_loop3A_787, %parallel_loop3A_831, %parallel_loop3A_729 : vector<16xi1>, vector<16xf32>
      %parallel_loop3A_833 = vector.broadcast %parallel_loop3A_291 : i32 to vector<16xi32>
      tpu.vector_store_idx %arg11[%parallel_loop3A_833, %iota3A], %parallel_loop3A_832 masked %lt3A_139 : memref<128x5xf32, #tpu.memory_space<vmem>>[vector<16xi32>, vector<16xi32>], vector<16xf32>, vector<16xi1>
    } {sc.loop_unroll_factor = 1 : i64, sc.parallel_access}
    "tpu.region"() ({
      %run_scoped3A = tpu.sem_alloc : memref<!tpu.dma_semaphore, #tpu.memory_space<semaphore_mem>>
      %dma_start3A_291 = arith.constant 0 : i32
      %dma_start3A_292 = tpu.memref_slice %arg6[%mul3A_2, %dma_start3A_291] : memref<4096x5xf32, #tpu.memory_space<hbm>> -> memref<128x5xf32, #tpu.memory_space<hbm>>
      %dma_start3A_293 = arith.constant 0 : i32
      %dma_start3A_294 = tpu.memref_slice %arg6[%mul3A_2, %dma_start3A_293] : memref<4096x5xf32, #tpu.memory_space<hbm>> -> memref<128x5xf32, #tpu.memory_space<hbm>>
      tpu.enqueue_dma source(%arg11 : memref<128x5xf32, #tpu.memory_space<vmem>>) target(%dma_start3A_294 : memref<128x5xf32, #tpu.memory_space<hbm>>) target_semaphore(%run_scoped3A : memref<!tpu.dma_semaphore, #tpu.memory_space<semaphore_mem>>)
      %dma_wait3A_295 = arith.constant 0 : i32
      %dma_wait3A_296 = tpu.memref_slice %arg6[%mul3A_2, %dma_wait3A_295] : memref<4096x5xf32, #tpu.memory_space<hbm>> -> memref<128x5xf32, #tpu.memory_space<hbm>>
      %dma_wait3A_297 = arith.constant 0 : i32
      %dma_wait3A_298 = tpu.memref_slice %arg6[%mul3A_2, %dma_wait3A_297] : memref<4096x5xf32, #tpu.memory_space<hbm>> -> memref<128x5xf32, #tpu.memory_space<hbm>>
      tpu.wait_dma2 semaphore(%run_scoped3A : memref<!tpu.dma_semaphore, #tpu.memory_space<semaphore_mem>>) src(%arg11 : memref<128x5xf32, #tpu.memory_space<vmem>>) dst(%dma_wait3A_298 : memref<128x5xf32, #tpu.memory_space<hbm>>)
      tpu.yield
    }) : () -> ()
    return
  }
}

</mosaic_0001>

<sc_bundles>
// kernel: kernel.3.cloned.1.call-start
scs
__scs_entry_jumppad:
0x0: {  	(pc) =	sbr.rel $0x88, $3  }
0x1: {  	(tag) =	ssettag $0x0;
	lr =	simm.s32 $0x1  }
0x2: {  	[smem:$0x3F9D] =	sst lr;
	_ =	strace $0xD0000000  }
0x3: {  	_ = 	snop  }
0x4: {  	_ = 	snop  }
0x5: {  	_ = 	snop  }
0x6: {  	_ = 	snop  }
0x7: {  	_ = 	snop  }
__scs_overlays_trampoline_lowered:
0x8: {  	[smem:$0x3FAC] =	sst s0  }
0x9: {  	[smem:$0x3FAD] =	sst s1  }
0xa: {  	[smem:$0x3FAE] =	sst s2  }
0xb: {  	[smem:$0x3FAF] =	sst s3  }
0xc: {  	[smem:$0x3FB0] =	sst s4  }
0xd: {  	[smem:$0x3FB1] =	sst s5  }
0xe: {  	[smem:$0x3FB2] =	sst s6  }
0xf: {  	[smem:$0x3FB3] =	sst s7  }
0x10: {  	[smem:$0x3FB4] =	sst s8  }
0x11: {  	[smem:$0x3FB5] =	sst s9;
	s0 =	simm.s32 @!p0 $0x0  }
0x12: {  	s1 =	sld [smem:$0x3F9B];
	s0 =	simm.s32 @p0 $0x1  }
0x13: {  	[smem:$0x3FB6] =	sst s0;
	s0 =	simm.s32 @!p1 $0x0  }
0x14: {  	s2 =	sld [smem:$0x3F9A];
	s0 =	simm.s32 @p1 $0x1  }
0x15: {  	[smem:$0x3FB7] =	sst s0;
	s0 =	simm.s32 @!p2 $0x0  }
0x16: {  	s3 =	sld [smem:$0x3FDB];
	s0 =	simm.s32 @p2 $0x1  }
0x17: {  	s4 =	simm.s32 $0x1BF5;
	[smem:$0x3FB9] =	sst s0  }
0x18: {  	s0 =	sld [smem:$0x3F9C];
	_ =	swait.ge [sflag:s4], $0x0  }
0x19: {  	s7 =	sld [smem:$0x3F9D]  }
0x1a: {  	s8 =	sadd.s32 $0xFFFFE003, lr  }
0x1b: {  	s9 =	sadd.s32 $0xFFFFFEF7, lr;
	s5 =	simm.s32 $0xFFFFFFFF;
	p2 =	slt.u32 s8, $0xFFFFF086  }
0x1c: {  	p1 =	slt.u32 s9, $0xF7A;
	s5 =	simm.s32 @!p2 $0x0  }
0x1d: {  	s5 =	simm.s32 @p1 $0x1;
	p0 =	seq.s32 s7, s2  }
0x1e: {  	s7 =	smul.u32 @!p0 $0xF7A, s2;
	p2 =	seq.s32 @!p0 s5, $0x0  }
0x1f: {  	s9 =	smul.u32 $0xF7A, s1;
	s8 =	simm.s32 @!p0 $0x1BF5;
	p2 =	por !p2, p0  }
0x20: {  	[sflag:s8] =	ssyncset.s32 @!p0 $0xFFFFF086;
	s6 =	sadd.s32 @!p0 s3, s7;
	s7 =	simm.s32 @!p0 $0x108  }
0x21: {  	s3 =	sadd.s32 s3, s9;
	s6 =	sadd.s32 @!p0 $0x88, s6;
	s7 =	simm.s32 @p2 $0x1082  }
0x22: {  	[simem:s7], [sflag:s8] =	dma.local @!p0 [hbm:s6], $0xF7A  }
0x23: {  	s9 =	sor.u32 $0xD0000000, s2;
	s6 =	simm.s32 $0x108;
	_ =	swait.ge @!p0 [sflag:s8], $0x0  }
0x24: {  	s3 =	sadd.s32 $0x88, s3;
	s6 =	simm.s32 @!p1 $0x1082;
	[sflag:s4] =	ssyncset.s32 $0xFFFFF086  }
0x25: {  	[simem:s6], [sflag:s4] =	dma.local [hbm:s3], $0xF7A  }
0x26: {  	[smem:$0x3F9D] =	sst s1;
	(tag) =	ssettag s2;
	_ =	strace s9  }
0x27: {  	s1 =	sld [smem:$0x3FAD]  }
0x28: {  	s2 =	sld [smem:$0x3FAE]  }
0x29: {  	s4 =	sld [smem:$0x3FB0]  }
0x2a: {  	p0 =	seq.s32 s5, $0x0;
	s5 =	sld [smem:$0x3FB1]  }
0x2b: {  	s6 =	sld [smem:$0x3FB2]  }
0x2c: {  	s7 =	sld [smem:$0x3FB3]  }
0x2d: {  	s3 =	simm.s32 $0x108;
	s8 =	sld [smem:$0x3FB4]  }
0x2e: {  	s3 =	simm.s32 @!p0 $0x1082;
	s9 =	sld [smem:$0x3FB5]  }
0x2f: {  	lr =	sadd.s32 s0, s3;
	s0 =	sld [smem:$0x3FAC]  }
0x30: {  	s3 =	sld [smem:$0x3FAF]  }
0x31: {  	[smem:$0x3FB8] =	sst s10  }
0x32: {  	s10 =	sld [smem:$0x3FB6];
	_ =	sdelay $0x3  }
0x33: {  	p0 =	seq.s32 s10, $0x1;
	s10 =	sld [smem:$0x3FB8];
	_ =	sdelay $0x3  }
0x34: {  	[smem:$0x3FB8] =	sst s10  }
0x35: {  	s10 =	sld [smem:$0x3FB7];
	_ =	sdelay $0x3  }
0x36: {  	p1 =	seq.s32 s10, $0x1;
	s10 =	sld [smem:$0x3FB8];
	_ =	sdelay $0x3  }
0x37: {  	[smem:$0x3FB8] =	sst s10  }
0x38: {  	s10 =	sld [smem:$0x3FB9]  }
0x39: {  	_ = 	snop;
	(pc) =	sbr.ind lr, $3  }
0x3a: {  	_ = 	snop  }
0x3b: {  	_ = 	snop  }
0x3c: {  	p2 =	seq.s32 s10, $0x1;
	s10 =	sld [smem:$0x3FB8]  }
0x3d: {  	_ =	shalt  }
0x3e: {  	_ =	shalt  }
0x3f: {  	_ =	shalt  }
0x40: {  	_ =	shalt  }
0x41: {  	_ =	shalt  }
0x42: {  	_ =	shalt  }
0x43: {  	_ =	shalt  }
0x44: {  	_ =	shalt  }
0x45: {  	_ =	shalt  }
0x46: {  	_ =	shalt  }
0x47: {  	_ =	shalt  }
0x48: {  	_ =	shalt  }
0x49: {  	_ =	shalt  }
0x4a: {  	_ =	shalt  }
0x4b: {  	_ =	shalt  }
0x4c: {  	_ =	shalt  }
0x4d: {  	_ =	shalt  }
0x4e: {  	_ =	shalt  }
0x4f: {  	_ =	shalt  }
0x50: {  	_ =	shalt  }
0x51: {  	_ =	shalt  }
0x52: {  	_ =	shalt  }
0x53: {  	_ =	shalt  }
0x54: {  	_ =	shalt  }
0x55: {  	_ =	shalt  }
0x56: {  	_ =	shalt  }
0x57: {  	_ =	shalt  }
0x58: {  	_ =	shalt  }
0x59: {  	_ =	shalt  }
0x5a: {  	_ =	shalt  }
0x5b: {  	_ =	shalt  }
0x5c: {  	_ =	shalt  }
0x5d: {  	_ =	shalt  }
0x5e: {  	_ =	shalt  }
0x5f: {  	_ =	shalt  }
0x60: {  	_ =	shalt  }
0x61: {  	_ =	shalt  }
0x62: {  	_ =	shalt  }
0x63: {  	_ =	shalt  }
0x64: {  	_ =	shalt  }
0x65: {  	_ =	shalt  }
0x66: {  	_ =	shalt  }
0x67: {  	_ =	shalt  }
0x68: {  	_ =	shalt  }
0x69: {  	_ =	shalt  }
0x6a: {  	_ =	shalt  }
0x6b: {  	_ =	shalt  }
0x6c: {  	_ =	shalt  }
0x6d: {  	_ =	shalt  }
0x6e: {  	_ =	shalt  }
0x6f: {  	_ =	shalt  }
0x70: {  	_ =	shalt  }
0x71: {  	_ =	shalt  }
0x72: {  	_ =	shalt  }
0x73: {  	_ =	shalt  }
0x74: {  	_ =	shalt  }
0x75: {  	_ =	shalt  }
0x76: {  	_ =	shalt  }
0x77: {  	_ =	shalt  }
0x78: {  	_ =	shalt  }
0x79: {  	_ =	shalt  }
0x7a: {  	_ =	shalt  }
0x7b: {  	_ =	shalt  }
0x7c: {  	_ =	shalt  }
0x7d: {  	_ =	shalt  }
0x7e: {  	_ =	shalt  }
0x7f: {  	_ =	shalt  }
0x80: {  	_ =	shalt  }
0x81: {  	_ =	shalt  }
0x82: {  	_ =	shalt  }
0x83: {  	_ =	shalt  }
0x84: {  	_ =	shalt  }
0x85: {  	_ =	shalt  }
0x86: {  	_ =	shalt  }
0x87: {  	_ =	shalt  }
.Lfunc_end0:
.L_simem_size_0:
called_computation_lowered:
.L_overlay_start_0:
0x88: {  	s2 =	sld [smem:$0x3FD9]  }
0x89: {  	s3 =	sld [smem:$0x3FFE];
	_ =	sdelay $0x1  }
0x8a: {  	s1 =	srdreg.scid  }
0x8b: {  	s0 =	sand.u32 $0x1, s1  }
0x8c: {  	s17 =	sshll.u32 s0, $0xA;
	s2 =	sadd.s32 s3, s2  }
0x8d: {  	s2 =	sadd.s32 s2, s17  }
0x8e: {  	[smem:$0x3FC4] =	sst s2  }
0x8f: {  	_ = 	snop  }
0x90: {  	s2 =	sld [smem:$0x3FC9]  }
0x91: {  	s18 =	sld [smem:$0x3FC8]  }
0x92: {  	s4 =	sld [smem:$0x3FC7]  }
0x93: {  	s5 =	sld [smem:$0x3FC6];
	(tm) =	ssettm $0x1  }
0x94: {  	s6 =	sld [smem:$0x3FFB];
	_ =	sdelay $0x3  }
0x95: {  	_ =	strace s6  }
0x96: {  	s6 =	sld [smem:$0x3FFC];
	_ =	sdelay $0x3  }
0x97: {  	_ =	strace s6  }
0x98: {  	s6 =	sld [smem:$0x3FFD];
	_ =	sdelay $0x3  }
0x99: {  	_ =	strace s6  }
0x9a: {  	_ =	strace $0x8FFFFFFF  }
0x9b: {  	s19 =	sld [smem:$0x3FDB];
	_ =	sdelay $0x1  }
0x9c: {  	s7 =	simm.s32 $_scs_section_size  }
0x9d: {  	s8 =	simm.s32 $_size__tile_overlayer_lowered;
	s9 =	simm.s32 $_tile_overlayer_lowered  }
0x9e: {  	s22 =	simm.s32 $0x1BFF;
	s21 =	sshll.u32 s9, $0x1;
	s6 =	sadd.s32 s7, s19  }
0x9f: {  	s10 =	simm.s32 $0x0;
	s20 =	sshll.u32 s8, $0x1;
	s8 =	sadd.s32 s21, s6  }
0xa0: {  	[timem:s10], [sflag:s22] =	dma.local [hbm:s8], s20  }
0xa1: {  	_ =	swait.ge [sflag:s22], s20  }
0xa2: {  	s7 =	ssub.s32 $0x0, s20;
	[sflag:s22] =	ssyncset.done $0x0  }
0xa3: {  	[sflag:s22] =	ssyncadd.s32 s7;
	_ =	sdelay $0x1  }
0xa4: {  	s23 =	simm.s32 $0x1B8B  }
0xa5: {  	_ =	swait.ge [sflag:s23], $0x1  }
0xa6: {  	[sflag:s23] =	ssyncset.done $0x0  }
0xa7: {  	s25 =	simm.s32 $0x1B8E;
	s24 =	sld [smem:$0x3FFE];
	[sflag:s23] =	ssyncadd.s32 $0xFFFFFFFF  }
0xa8: {  	s26 =	simm.s32 $execute0_lowered;
	[smem:$0x3FD2] =	sst s25  }
0xa9: {  	s8 =	sshll.u32 s26, $0x1;
	_ =	strace $0x80000046;
	[dreg:$0x1] =	wrdreg $0xFFFFFFFF  }
0xaa: {  	s28 =	simm.s32 $_size_execute0_lowered;
	s6 =	sadd.s32 s6, s8;
	[dreg:$0x0] =	wrdreg $0x0  }
0xab: {  	s8 =	sshll.u32 s28, $0x1;
	[dreg:$0x2] =	wrdreg s6  }
0xac: {  	[dreg:$0x3] =	wrdreg s8  }
0xad: {  	[dreg:$0x4] =	wrdreg $0xC0  }
0xae: {  	_ =	task [dreg:s10], $0x5FFFF  }
0xaf: {  	[dreg:$0x1] =	wrdreg $0xFFFFFFFF  }
0xb0: {  	[dreg:$0x0] =	wrdreg $0x60  }
0xb1: {  	[dreg:$0x2] =	wrdreg s2  }
0xb2: {  	[dreg:$0x3] =	wrdreg s18  }
0xb3: {  	[dreg:$0x4] =	wrdreg s4  }
0xb4: {  	[dreg:$0x5] =	wrdreg s5  }
0xb5: {  	[dreg:$0x6] =	wrdreg s24  }
0xb6: {  	[dreg:$0x7] =	wrdreg $0x9  }
0xb7: {  	_ =	task.clear_ibuf [dreg:s10], $0x8FFFF;
	_ =	strace $0x90000046  }
0xb8: {  	s29 =	simm.s32 $0x9;
	_ =	strace $0x80000048  }
0xb9: {  	_ =	swait.ge [sflag:s29], $0x1  }
0xba: {  	[sflag:s29] =	ssyncadd.s32 $0xFFFFFFFF  }
0xbb: {  	_ =	strace $0x90000048  }
0xbc: {  	_ =	sfence  }
0xbd: {  	s30 =	sld [smem:$0x0];
	_ =	sdelay $0x2  }
0xbe: {  	s31 =	sshll.u32 s1, $0xD;
	s1 =	sshrl.u32 s1, $0x2  }
0xbf: {  	s3 =	sand.u32 $0x4000, s31;
	s1 =	sadd.s32 s1, s30  }
0xc0: {  	s0 =	sor.u32 s3, s0;
	s1 =	sshll.u32 s1, $0x11  }
0xc1: {  	s0 =	sor.u32 s1, s0  }
0xc2: {  	s0 =	sadd.s32 $0x8F2B, s0  }
0xc3: {  	[sflag:s0] =	ssyncadd.remote.s32 $0x1  }
0xc4: {  	_ =	sfence.sel $0xFFFF  }
0xc5: {  	[dreg:$0x0] =	wrdreg $0xFFFFFFFF;
	(pc) =	sbr.abs _section_cstart, $3  }
0xc6: {  	[dreg:$0x1] =	wrdreg $0xFFFFFFFF  }
0xc7: {  	_ =	task.clear_ibuf [dreg:s10], $0x2FFFF;
	_ =	strace $0x9FFFFFFF  }
0xc8: {  	(tm) =	ssettm $0x7FFFFFFF  }
0xc9: {  	_ =	shalt  }
tec
execute0_lowered:
.L_overlay_start_1:
0x0: {  	(tag) =	ssettag $0x1  }
0x1: {  	s0 =	rddreg [dreg:$0x0]  }
0x2: {  	s2 =	rddreg [dreg:$0x1]  }
0x3: {  	s1 =	rddreg [dreg:$0x2]  }
0x4: {  	s3 =	rddreg [dreg:$0x3]  }
0x5: {  	s5 =	rddreg [dreg:$0x4];
	v0 =	vimm.s32 $0xEFCDAB89;
	v1 =	vimm.s32 $0x67452301  }
0x6: {  	s4 =	srdreg.scid;
	s7 =	stileid.u32;
	v2 =	vimm.s32 $0xDCFE98BA;
	v3 =	vimm.s32 $0x54761032;
	v4 =	vimm.s32 $0xBA98FEDC;
	s12 =	simm.s32 $0x80  }
0x7: {  	v5 =	vimm.s32 $0x32107654;
	s13 =	simm.s32 $0x40;
	v6 =	vimm.s32 $0xFEDCBA98;
	s21 =	simm.s32 $0x10480;
	s22 =	simm.s32 $0x280  }
0x8: {  	v7 =	vimm.s32 $0x76543210;
	s23 =	simm.s32 $0x14480;
	s24 =	simm.s32 $0x2480;
	s25 =	simm.s32 $0xC0  }
0x9: {  	s28 =	simm.s32 $0x140;
	s29 =	simm.s32 $0xA480;
	s30 =	simm.s32 $0x1C0;
	vm0 =	vmmov $0x1;
	vm1 =	vcmask $0x314;
	vm2 =	vcmask $0x714  }
0xa: {  	s31 =	simm.s32 $0xE480;
	s10 =	simm.s32 $0x2C0;
	s11 =	simm.s32 $0x16480;
	vm3 =	vcmask $0xB14;
	v0 =	vunpack.c.l.s4.s8 v0;
	v1 =	vunpack.c.l.s4.s8 v1  }
0xb: {  	s14 =	simm.s32 $0x1;
	s15 =	simm.s32 $0x18480;
	s16 =	simm.s32 $0x0;
	v2 =	vunpack.c.l.s4.s8 v2;
	v3 =	vunpack.c.l.s4.s8 v3;
	v4 =	vunpack.c.l.s4.s8 v4  }
0xc: {  	s6 =	sand.u32 $0x1, s4;
	s4 =	simm.s32 $0x0;
	s7 =	sshll.u32 s7, $0x8;
	v5 =	vunpack.c.l.s4.s8 v5;
	v6 =	vunpack.c.l.s4.s8 v6;
	v0 =	vunpack.c.0.s8.s32 v0  }
0xd: {  	s8 =	sshll.u32 s6, $0x7;
	[smem:$0x7FF] =	sst s4;
	s6 =	ssub.s32 $0x2, s6;
	v1 =	vunpack.c.0.s8.s32 v1;
	v2 =	vunpack.c.0.s8.s32 v2;
	v3 =	vunpack.c.0.s8.s32 v3  }
0xe: {  	v7 =	vunpack.c.l.s4.s8 v7;
	s7 =	sor.u32 s8, s7;
	_ =	strace $0x80000047;
	s9 =	sshrl.u32 s6, $0x1;
	v4 =	vunpack.c.0.s8.s32 v4;
	v5 =	vunpack.c.0.s8.s32 v5  }
0xf: {  	s8 =	sshll.u32 s7, $0x4;
	s9 =	ssub.s32 s6, s9;
	s26 =	sshrl.u32 s7, $0x3;
	v0 =	vcombine.low v1, v0;
	v1 =	vunpack.c.0.s8.s32 v6;
	v2 =	vcombine.low v3, v2  }
0x10: {  	vm4 =	vcmask $0xF14;
	s6 =	sadd.s32 s2, s7;
	s2 =	simm.s32 $0x12480;
	s8 =	sadd.s32 s8, s5;
	v3 =	vcombine.low v5, v4;
	v4 =	vunpack.c.0.s8.s32 v7  }
0x11: {  	s5 =	sadd.s32 s0, s26;
	s26 =	simm.s32 $0x6480;
	s0 =	simm.s32 $0x240;
	v0 =	vand.u32 $0xF, v0;
	v5 =	vand.u32 $0xF, v1;
	v1 =	vand.u32 $0xF, v2  }
0x12: {  	s7 =	sadd.s32 $0x400, s8;
	s8 =	smax.u32 s9, $0x1;
	s9 =	simm.s32 $0x2;
	v2 =	vand.u32 $0xF, v3;
	v3 =	vcombine.low v5, v4;
	v4 =	vlaneseq.u32  }
.LBB2_1:
0x13: {  	[tilespmem:s4], [sflag:$0x2] =	stream.linear.gather [hbm4b:s5+s4], $0x80, $0x38;
	[tilespmem:$0x1C480] =	vst v63  }
0x14: {  	_ =	swait.ge [sflag:s9], $0x80  }
0x15: {  	[sflag:s9] =	ssyncset.done $0x0  }
0x16: {  	s17 =	simm.s32 $0x400;
	s18 =	simm.s32 $0x8000;
	[sflag:s9] =	ssyncadd.s32 $0xFFFFFF80  }
0x17: {  	[tilespmem:s12], [sflag:$0x2] =	stream.strided.gather [hbm4b:s6+s17], $0x0, s18, s17, $0x38;
	[tilespmem:$0x1C480] =	vst v63  }
0x18: {  	_ = 	snop  }
0x19: {  	[tilespmem:s12], [sflag:$0x2] =	stream.linear.gather [hbm4b:s6+s4], $0x280, $0x38;
	[tilespmem:$0x1C480] =	vst v63  }
0x1a: {  	_ =	swait.ge [sflag:s9], $0x280  }
0x1b: {  	[sflag:s9] =	ssyncset.done $0x0  }
0x1c: {  	s20 =	simm.s32 $0x480;
	[sflag:s9] =	ssyncadd.s32 $0xFFFFFD80  }
0x1d: {  	[tilespmem:s20], [sflag:$0x1] =	stream.indirect.gather [hbm4b:s1+s13], $0x80, s4, s13, $0xb8;
	[tilespmem:$0x1C480] =	vst v63  }
0x1e: {  	s18 =	simm.s32 $0x4480  }
0x1f: {  	[tilespmem:s18], [sflag:$0x1] =	stream.indirect.gather [hbm4b:s3+s13], $0x80, s12, s13, $0xb8;
	[tilespmem:$0x1C480] =	vst v63  }
0x20: {  	s19 =	simm.s32 $0x100;
	s20 =	simm.s32 $0x8480  }
0x21: {  	[tilespmem:s20], [sflag:$0x1] =	stream.indirect.gather [hbm4b:s3+s13], $0x80, s19, s13, $0xb8;
	[tilespmem:$0x1C480] =	vst v63  }
0x22: {  	s19 =	simm.s32 $0x180;
	s20 =	simm.s32 $0xC480  }
0x23: {  	[tilespmem:s20], [sflag:$0x1] =	stream.indirect.gather [hbm4b:s3+s13], $0x80, s19, s13, $0xb8;
	[tilespmem:$0x1C480] =	vst v63  }
0x24: {  	s18 =	simm.s32 $0x200  }
0x25: {  	[tilespmem:s21], [sflag:$0x1] =	stream.indirect.gather [hbm4b:s3+s13], $0x80, s18, s13, $0xb8;
	[tilespmem:$0x1C480] =	vst v63  }
0x26: {  	_ = 	snop  }
0x27: {  	[tilespmem:s23], [sflag:$0x1] =	stream.indirect.gather [hbm4b:s3+s13], $0x80, s22, s13, $0xb8;
	[tilespmem:$0x1C480] =	vst v63  }
0x28: {  	_ = 	snop  }
0x29: {  	[tilespmem:s24], [sflag:$0x1] =	stream.indirect.gather [hbm4b:s1+s13], $0x80, s13, s13, $0xb8;
	[tilespmem:$0x1C480] =	vst v63  }
0x2a: {  	_ = 	snop  }
0x2b: {  	[tilespmem:s26], [sflag:$0x1] =	stream.indirect.gather [hbm4b:s3+s13], $0x80, s25, s13, $0xb8;
	[tilespmem:$0x1C480] =	vst v63  }
0x2c: {  	_ = 	snop  }
0x2d: {  	[tilespmem:s29], [sflag:$0x1] =	stream.indirect.gather [hbm4b:s3+s13], $0x80, s28, s13, $0xb8;
	[tilespmem:$0x1C480] =	vst v63  }
0x2e: {  	_ = 	snop  }
0x2f: {  	[tilespmem:s31], [sflag:$0x1] =	stream.indirect.gather [hbm4b:s3+s13], $0x80, s30, s13, $0xb8;
	[tilespmem:$0x1C480] =	vst v63  }
0x30: {  	_ = 	snop  }
0x31: {  	[tilespmem:s2], [sflag:$0x1] =	stream.indirect.gather [hbm4b:s3+s13], $0x80, s0, s13, $0xb8;
	[tilespmem:$0x1C480] =	vst v63  }
0x32: {  	_ = 	snop  }
0x33: {  	[tilespmem:s11], [sflag:$0x1] =	stream.indirect.gather [hbm4b:s3+s13], $0x80, s10, s13, $0xb8;
	[tilespmem:$0x1C480] =	vst v63  }
0x34: {  	_ =	swait.ge [sflag:s14], $0x2000  }
0x35: {  	[sflag:s14] =	ssyncset.done $0x0  }
0x36: {  	[sflag:s14] =	ssyncadd.s32 $0xFFFFE000  }
0x37: {  	_ =	swait.ge [sflag:s14], $0x2000  }
0x38: {  	[sflag:s14] =	ssyncset.done $0x0  }
0x39: {  	[sflag:s14] =	ssyncadd.s32 $0xFFFFE000  }
0x3a: {  	_ =	swait.ge [sflag:s14], $0x2000  }
0x3b: {  	[sflag:s14] =	ssyncset.done $0x0  }
0x3c: {  	[sflag:s14] =	ssyncadd.s32 $0xFFFFE000  }
0x3d: {  	_ =	swait.ge [sflag:s14], $0x2000  }
0x3e: {  	[sflag:s14] =	ssyncset.done $0x0  }
0x3f: {  	[sflag:s14] =	ssyncadd.s32 $0xFFFFE000  }
0x40: {  	_ =	swait.ge [sflag:s14], $0x2000  }
0x41: {  	[sflag:s14] =	ssyncset.done $0x0  }
0x42: {  	[sflag:s14] =	ssyncadd.s32 $0xFFFFE000  }
0x43: {  	_ =	swait.ge [sflag:s14], $0x2000  }
0x44: {  	[sflag:s14] =	ssyncset.done $0x0  }
0x45: {  	s19 =	simm.s32 $0x0;
	[sflag:s14] =	ssyncadd.s32 $0xFFFFE000  }
0x46: {  	v7 =	vld [tilespmem:s19+$0x144F0]  }
0x47: {  	v5 =	vld [tilespmem:s19+$0xC4F0]  }
0x48: {  	v6 =	vld [tilespmem:s19+$0x84F0]  }
0x49: {  	v8 =	vld [tilespmem:s19+$0x4F0]  }
0x4a: {  	v9 =	vld [tilespmem:s19+$0x44F0]  }
0x4b: {  	v10 =	vld [tilespmem:s19+$0x144D0]  }
0x4c: {  	v11 =	vld [tilespmem:s19+$0x84E0]  }
0x4d: {  	v12 =	vld [tilespmem:s19+$0x4E0]  }
0x4e: {  	v13 =	vld [tilespmem:s19+$0x44E0]  }
0x4f: {  	v14 =	vld [tilespmem:s19+$0x144C0]  }
0x50: {  	v15 =	vld [tilespmem:s19+$0x104C0]  }
0x51: {  	v16 =	vld [tilespmem:s19+$0x4D0]  }
0x52: {  	v17 =	vld [tilespmem:s19+$0x44D0]  }
0x53: {  	v18 =	vld [tilespmem:s19+$0x144B0]  }
0x54: {  	v19 =	vld [tilespmem:s19+$0x104B0]  }
0x55: {  	v20 =	vld [tilespmem:s19+$0x4C0]  }
0x56: {  	v21 =	vld [tilespmem:s19+$0xC4B0]  }
0x57: {  	v22 =	vld [tilespmem:s19+$0x144A0]  }
0x58: {  	v23 =	vld [tilespmem:s19+$0x104A0]  }
0x59: {  	v24 =	vld [tilespmem:s19+$0x4B0]  }
0x5a: {  	v25 =	vld [tilespmem:s19+$0x14480]  }
0x5b: {  	v26 =	vld [tilespmem:s19+$0x14490]  }
0x5c: {  	v27 =	vld [tilespmem:s19+$0x10480]  }
0x5d: {  	v28 =	vld [tilespmem:s19+$0x10490]  }
0x5e: {  	v29 =	vld [tilespmem:s19+$0x4A0]  }
0x5f: {  	v30 =	vld [tilespmem:s19+$0xC480]  }
0x60: {  	v31 =	vld [tilespmem:s19+$0xC490]  }
0x61: {  	v32 =	vld [tilespmem:s19+$0x480]  }
0x62: {  	v33 =	vld [tilespmem:s19+$0x490]  }
0x63: {  	v34 =	vld [tilespmem:s19+$0x8480];
	v6 =	vmul.f32 v6, v8  }
0x64: {  	v36 =	vld [tilespmem:s19+$0x4480];
	v35 =	vmul.f32 v5, v8;
	v9 =	vmul.f32 v9, v8  }
0x65: {  	v37 =	vld [tilespmem:s19+$0x4490];
	v10 =	vmul.f32 v10, v16;
	v13 =	vmul.f32 v13, v12  }
0x66: {  	v38 =	vld [tilespmem:s19+$0xC4A0];
	v11 =	vmul.f32 v11, v12;
	v15 =	vmul.f32 v15, v20  }
0x67: {  	v39 =	vld [tilespmem:s19+$0x44A0];
	v14 =	vmul.f32 v14, v20;
	v25 =	vmul.f32 v25, v32  }
0x68: {  	v40 =	vld [tilespmem:s19+$0x84A0];
	v26 =	vmul.f32 v26, v33;
	v27 =	vmul.f32 v27, v32  }
0x69: {  	v5 =	vld [tilespmem:s19+$0x8490];
	v28 =	vmul.f32 v28, v33;
	v30 =	vmul.f32 v30, v32  }
0x6a: {  	v41 =	vld [tilespmem:s19+$0x44B0];
	v31 =	vmul.f32 v31, v33;
	v34 =	vmul.f32 v34, v32  }
0x6b: {  	v50 =	vld [tilespmem:s19+$0x84B0];
	v32 =	vmul.f32 v36, v32;
	v18 =	vmul.f32 v18, v24  }
0x6c: {  	v51 =	vld [tilespmem:s19+$0x44C0];
	v21 =	vmul.f32 v21, v24;
	v19 =	vmul.f32 v19, v24  }
0x6d: {  	v53 =	vld [tilespmem:s19+$0xC4D0];
	v23 =	vmul.f32 v23, v29;
	v22 =	vmul.f32 v22, v29  }
0x6e: {  	s17 =	simm.s32 $0x80;
	v55 =	vld [tilespmem:s19+$0xC4E0];
	v27 =	vadd.f32 v28, v27;
	v5 =	vmul.f32 v5, v33;
	v33 =	vmul.f32 v37, v33  }
0x6f: {  	v56 =	vld [tilespmem:s17+$0x44F0];
	v38 =	vmul.f32 v38, v29;
	v25 =	vadd.f32 v26, v25;
	v30 =	vadd.f32 v31, v30  }
0x70: {  	v52 =	vmul.f32 v39, v29;
	v26 =	vld [tilespmem:s19+$0x84C0];
	v23 =	vadd.f32 v23, v27;
	v32 =	vadd.f32 v33, v32  }
0x71: {  	v29 =	vmul.f32 v40, v29;
	v31 =	vld [tilespmem:s19+$0xC4C0];
	v22 =	vadd.f32 v22, v25;
	v5 =	vadd.f32 v5, v34  }
0x72: {  	v54 =	vmul.f32 v41, v24;
	v28 =	vld [tilespmem:s19+$0x84D0];
	v30 =	vadd.f32 v38, v30;
	v27 =	vadd.f32 v52, v32  }
0x73: {  	v57 =	vld [tilespmem:s17+$0x144D0];
	v24 =	vmul.f32 v50, v24;
	v18 =	vadd.f32 v18, v22;
	v5 =	vadd.f32 v29, v5  }
0x74: {  	v58 =	vld [tilespmem:s17+$0x44D0];
	v19 =	vadd.f32 v19, v23;
	v29 =	vmul.f32 v51, v20;
	v27 =	vadd.f32 v54, v27  }
0x75: {  	v25 =	vld [tilespmem:s19+$0x104D0];
	v21 =	vadd.f32 v21, v30;
	v5 =	vadd.f32 v24, v5;
	v24 =	vmul.f32 v26, v20  }
0x76: {  	v59 =	vld [tilespmem:s17+$0x144B0];
	v17 =	vmul.f32 v17, v16;
	v14 =	vadd.f32 v14, v18;
	v27 =	vadd.f32 v29, v27  }
0x77: {  	v22 =	vld [tilespmem:s19+$0x104E0];
	v20 =	vmul.f32 v31, v20;
	v5 =	vadd.f32 v24, v5;
	v24 =	vmul.f32 v28, v16  }
0x78: {  	v7 =	vmul.f32 v7, v8;
	v23 =	vld [tilespmem:s19+$0x144E0];
	v15 =	vadd.f32 v15, v19;
	v17 =	vadd.f32 v17, v27  }
0x79: {  	v26 =	vld [tilespmem:s19+$0x104F0];
	v20 =	vadd.f32 v20, v21;
	v21 =	vmul.f32 v53, v16;
	v24 =	vadd.f32 v24, v5  }
0x7a: {  	v60 =	vld [tilespmem:s17+$0x104B0];
	v10 =	vadd.f32 v10, v14;
	v16 =	vmul.f32 v25, v16;
	v13 =	vadd.f32 v13, v17  }
0x7b: {  	v61 =	vld [tilespmem:s17+$0xC4B0];
	v14 =	vadd.f32 v21, v20;
	v17 =	vmul.f32 v55, v12;
	v11 =	vadd.f32 v11, v24  }
0x7c: {  	v36 =	vld [tilespmem:s17+$0x4480];
	v15 =	vadd.f32 v16, v15;
	v16 =	vmul.f32 v22, v12;
	v9 =	vadd.f32 v9, v13  }
0x7d: {  	v30 =	vld [tilespmem:s17+$0xC480];
	v12 =	vmul.f32 v23, v12;
	v13 =	vadd.f32 v17, v14;
	v11 =	vadd.f32 v6, v11  }
0x7e: {  	v33 =	vld [tilespmem:s17+$0x490];
	v15 =	vadd.f32 v16, v15;
	v16 =	vmul.f32 v26, v8;
	v8 =	vperm.xlane v9, v0  }
0x7f: {  	v34 =	vld [tilespmem:s17+$0x8480];
	v10 =	vadd.f32 v12, v10;
	v13 =	vadd.f32 v35, v13;
	v12 =	vperm.xlane v11, v0  }
0x80: {  	v18 =	vld [tilespmem:s17+$0x144F0];
	v15 =	vadd.f32 v16, v15;
	v8 =	vadd.f32 v9, v8  }
0x81: {  	v19 =	vld [tilespmem:s17+$0xC4F0];
	v10 =	vadd.f32 v7, v10;
	v9 =	vperm.xlane v13, v0;
	v11 =	vadd.f32 v11, v12  }
0x82: {  	v25 =	vld [tilespmem:s17+$0x14490];
	v12 =	vperm.xlane v15, v0;
	v16 =	vperm.xlane v8, v1  }
0x83: {  	v27 =	vld [tilespmem:s17+$0x84F0];
	v13 =	vadd.f32 v13, v9;
	v9 =	vperm.xlane v10, v0;
	v20 =	vperm.xlane v11, v1  }
0x84: {  	v5 =	vld [tilespmem:s17+$0x4F0];
	v12 =	vadd.f32 v15, v12;
	v8 =	vadd.f32 v8, v16  }
0x85: {  	v22 =	vld [tilespmem:s17+$0x104A0];
	v15 =	vperm.xlane v13, v1;
	v10 =	vadd.f32 v10, v9;
	v11 =	vadd.f32 v11, v20  }
0x86: {  	v23 =	vld [tilespmem:s17+$0x144C0];
	v16 =	vperm.xlane v12, v1;
	v21 =	vperm.xlane v8, v2  }
0x87: {  	v26 =	vld [tilespmem:s17+$0x104C0];
	v15 =	vadd.f32 v13, v15;
	v13 =	vperm.xlane v10, v1;
	v24 =	vperm.xlane v11, v2  }
0x88: {  	v14 =	vld [tilespmem:s17+$0x84E0];
	v12 =	vadd.f32 v12, v16;
	v8 =	vadd.f32 v8, v21  }
0x89: {  	v6 =	vld [tilespmem:s17+$0x4E0];
	v16 =	vperm.xlane v15, v2;
	v10 =	vadd.f32 v10, v13;
	v11 =	vadd.f32 v11, v24  }
0x8a: {  	v17 =	vld [tilespmem:s17+$0x44E0];
	v21 =	vperm.xlane v12, v2;
	v28 =	vperm.xlane v8, v3  }
0x8b: {  	s20 =	simm.s32 $0x0;
	v7 =	vld [tilespmem:s17+$0x4D0];
	v15 =	vadd.f32 v15, v16;
	v16 =	vperm.xlane v10, v2;
	v29 =	vperm.xlane v11, v3  }
0x8c: {  	v62 =	vor.u32 s20, v4;
	v9 =	vld [tilespmem:s17+$0x4C0];
	v12 =	vadd.f32 v12, v21;
	v8 =	vadd.f32 v8, v28  }
0x8d: {  	v20 =	vld [tilespmem:s17+$0x144A0];
	v21 =	vperm.xlane v15, v3;
	v16 =	vadd.f32 v10, v16;
	v10 =	vadd.f32 v11, v29  }
0x8e: {  	v14 =	vmul.f32 v14, v6;
	v13 =	vld [tilespmem:s17+$0x4B0];
	v11 =	vperm.xlane v12, v3;
	v8 =	vnsel vm0, $0x0, v8  }
0x8f: {  	v24 =	vld [tilespmem:s17+$0x14480];
	v15 =	vadd.f32 v15, v21;
	v63 =	vperm.xlane v16, v3;
	v31 =	vsel vm1, v8, v10  }
0x90: {  	v28 =	vld [tilespmem:s17+$0x10480];
	v8 =	vmul.f32 v18, v5;
	v18 =	vadd.f32 v12, v11;
	v11 =	vmul.f32 v27, v5  }
0x91: {  	v21 =	vld [tilespmem:s17+$0x4A0];
	v10 =	vmul.f32 v19, v5;
	v12 =	vmul.f32 v56, v5;
	v19 =	vsel vm2, v31, v15  }
0x92: {  	v31 =	vld [tilespmem:s17+$0x480];
	v15 =	vmul.f32 v57, v7;
	v27 =	vadd.f32 v16, v63;
	v16 =	vmul.f32 v17, v6  }
0x93: {  	v29 =	vld [tilespmem:s17+$0x10490];
	v17 =	vmul.f32 v26, v9;
	v26 =	vmul.f32 v59, v13;
	v18 =	vsel vm3, v19, v18  }
0x94: {  	v32 =	vld [tilespmem:s17+$0xC490];
	v19 =	vmul.f32 v23, v9;
	v23 =	vsel vm4, v18, v27;
	v18 =	vmul.f32 v58, v7  }
0x95: {  	s18 =	simm.s32 $0x0;
	s19 =	simm.s32 $0x400;
	v35 =	vld [tilespmem:s17+$0x8490];
	v27 =	vmul.f32 v60, v13;
	[tilespmem:v62+s15+$0x0] =	vst.idx.msk $0x1f, v23;
	v23 =	vmul.f32 v61, v13  }
.LBB2_2:
0x96: {  	p0 =	sne.s32 s19, $0x7E00;
	v37 =	vld [tilespmem:s17+$0x4490];
	v22 =	vmul.f32 v22, v21;
	v20 =	vmul.f32 v20, v21  }
0x97: {  	v24 =	vmul.f32 v24, v31;
	v38 =	vld [tilespmem:s17+$0xC4A0];
	v25 =	vmul.f32 v25, v33  }
0x98: {  	v28 =	vmul.f32 v28, v31;
	v29 =	vmul.f32 v29, v33;
	v39 =	vld [tilespmem:s17+$0x44A0]  }
0x99: {  	v30 =	vmul.f32 v30, v31;
	v32 =	vmul.f32 v32, v33;
	v40 =	vld [tilespmem:s17+$0x84A0]  }
0x9a: {  	v34 =	vmul.f32 v34, v31;
	v35 =	vmul.f32 v35, v33;
	v41 =	vld [tilespmem:s17+$0x44B0]  }
0x9b: {  	v24 =	vadd.f32 v25, v24;
	v31 =	vmul.f32 v36, v31;
	v33 =	vmul.f32 v37, v33;
	v36 =	vld [tilespmem:s17+$0x84B0]  }
0x9c: {  	v30 =	vadd.f32 v32, v30;
	v28 =	vadd.f32 v29, v28;
	v25 =	vld [tilespmem:s17+$0x44C0];
	v32 =	vmul.f32 v38, v21  }
0x9d: {  	v29 =	vadd.f32 v33, v31;
	v31 =	vmul.f32 v39, v21;
	v33 =	vadd.f32 v35, v34;
	v34 =	vld [tilespmem:s17+$0x84C0]  }
0x9e: {  	v22 =	vadd.f32 v22, v28;
	v20 =	vadd.f32 v20, v24;
	v21 =	vmul.f32 v40, v21;
	v35 =	vld [tilespmem:s17+$0xC4C0]  }
0x9f: {  	v30 =	vadd.f32 v32, v30;
	v24 =	vadd.f32 v31, v29;
	v28 =	vmul.f32 v41, v13;
	v29 =	vld [tilespmem:s17+$0x84D0]  }
0xa0: {  	v20 =	vadd.f32 v26, v20;
	v21 =	vadd.f32 v21, v33;
	v13 =	vmul.f32 v36, v13;
	v31 =	vld [tilespmem:s17+$0xC4D0]  }
0xa1: {  	v22 =	vadd.f32 v27, v22;
	v24 =	vadd.f32 v28, v24;
	v25 =	vmul.f32 v25, v9;
	v26 =	vld [tilespmem:s17+$0x104D0]  }
0xa2: {  	v23 =	vadd.f32 v23, v30;
	v13 =	vadd.f32 v13, v21;
	v21 =	vmul.f32 v34, v9;
	v27 =	vld [tilespmem:s17+$0xC4E0]  }
0xa3: {  	v19 =	vadd.f32 v19, v20;
	v24 =	vadd.f32 v25, v24;
	v9 =	vmul.f32 v35, v9;
	v25 =	vld [tilespmem:s17+$0x104E0]  }
0xa4: {  	v17 =	vadd.f32 v17, v22;
	v13 =	vadd.f32 v21, v13;
	v20 =	vmul.f32 v29, v7;
	v21 =	vld [tilespmem:s17+$0x144E0]  }
0xa5: {  	v18 =	vadd.f32 v18, v24;
	v9 =	vadd.f32 v9, v23;
	v22 =	vmul.f32 v31, v7;
	v23 =	vld [tilespmem:s17+$0x104F0];
	s17 =	sshra.s32 s19, $0x2  }
0xa6: {  	v15 =	vadd.f32 v15, v19;
	v31 =	vld [tilespmem:s17+$0x144F0];
	v13 =	vadd.f32 v20, v13;
	v7 =	vmul.f32 v26, v7  }
0xa7: {  	v19 =	vld [tilespmem:s17+$0xC4F0];
	v16 =	vadd.f32 v16, v18;
	v9 =	vadd.f32 v22, v9;
	v18 =	vmul.f32 v27, v6  }
0xa8: {  	v26 =	vld [tilespmem:s17+$0x84F0];
	v13 =	vadd.f32 v14, v13;
	v7 =	vadd.f32 v7, v17;
	v14 =	vmul.f32 v25, v6  }
0xa9: {  	v17 =	vld [tilespmem:s17+$0x4F0];
	v12 =	vadd.f32 v12, v16;
	v9 =	vadd.f32 v18, v9;
	v6 =	vmul.f32 v21, v6  }
0xaa: {  	v16 =	vld [tilespmem:s17+$0x44F0];
	v11 =	vadd.f32 v11, v13;
	v7 =	vadd.f32 v14, v7;
	v5 =	vmul.f32 v23, v5  }
0xab: {  	v14 =	vld [tilespmem:s17+$0x144D0];
	v13 =	vperm.xlane v12, v0;
	v9 =	vadd.f32 v10, v9;
	v10 =	vadd.f32 v6, v15  }
0xac: {  	v18 =	vld [tilespmem:s17+$0x84E0];
	v15 =	vperm.xlane v11, v0;
	v7 =	vadd.f32 v5, v7  }
0xad: {  	v6 =	vld [tilespmem:s17+$0x4E0];
	v12 =	vadd.f32 v12, v13;
	v13 =	vperm.xlane v9, v0;
	v8 =	vadd.f32 v8, v10  }
0xae: {  	v23 =	vld [tilespmem:s17+$0x44E0];
	v10 =	vadd.f32 v11, v15;
	v11 =	vperm.xlane v7, v0;
	v5 =	vmov v17  }
0xaf: {  	v27 =	vld [tilespmem:s17+$0x144C0];
	v15 =	vperm.xlane v12, v1;
	v9 =	vadd.f32 v9, v13;
	v13 =	vperm.xlane v8, v0  }
0xb0: {  	v17 =	vld [tilespmem:s17+$0x104C0];
	v20 =	vperm.xlane v10, v1;
	v11 =	vadd.f32 v7, v11  }
0xb1: {  	v7 =	vld [tilespmem:s17+$0x4D0];
	v12 =	vadd.f32 v12, v15;
	v15 =	vperm.xlane v9, v1;
	v8 =	vadd.f32 v8, v13  }
0xb2: {  	v35 =	vld [tilespmem:s17+$0x44D0];
	v10 =	vadd.f32 v10, v20;
	v13 =	vperm.xlane v11, v1  }
0xb3: {  	v36 =	vld [tilespmem:s17+$0x144B0];
	v20 =	vperm.xlane v12, v2;
	v15 =	vadd.f32 v9, v15;
	v21 =	vperm.xlane v8, v1  }
0xb4: {  	v37 =	vld [tilespmem:s17+$0x104B0];
	v22 =	vperm.xlane v10, v2;
	v11 =	vadd.f32 v11, v13  }
0xb5: {  	v9 =	vld [tilespmem:s17+$0x4C0];
	v12 =	vadd.f32 v12, v20;
	v13 =	vperm.xlane v15, v2;
	v8 =	vadd.f32 v8, v21  }
0xb6: {  	v38 =	vld [tilespmem:s17+$0xC4B0];
	v10 =	vadd.f32 v10, v22;
	v21 =	vperm.xlane v11, v2  }
0xb7: {  	v20 =	vld [tilespmem:s17+$0x144A0];
	v24 =	vperm.xlane v12, v3;
	v15 =	vadd.f32 v15, v13;
	v25 =	vperm.xlane v8, v2  }
0xb8: {  	s18 =	sadd.s32 $0x1, s18;
	v22 =	vld [tilespmem:s17+$0x104A0];
	v28 =	vperm.xlane v10, v3;
	v11 =	vadd.f32 v11, v21  }
0xb9: {  	s20 =	sshll.u32 s18, $0x7;
	v13 =	vld [tilespmem:s17+$0x4B0];
	v12 =	vadd.f32 v12, v24;
	v21 =	vperm.xlane v15, v3;
	v8 =	vadd.f32 v8, v25  }
0xba: {  	v33 =	vor.u32 s20, v4;
	v24 =	vld [tilespmem:s17+$0x14480];
	v10 =	vadd.f32 v10, v28;
	v29 =	vperm.xlane v11, v3  }
0xbb: {  	v25 =	vld [tilespmem:s17+$0x14490];
	v12 =	vnsel vm0, $0x0, v12;
	v15 =	vadd.f32 v15, v21;
	v21 =	vperm.xlane v8, v3  }
0xbc: {  	v28 =	vld [tilespmem:s17+$0x10480];
	v10 =	vsel vm1, v12, v10;
	v11 =	vadd.f32 v11, v29  }
0xbd: {  	v29 =	vld [tilespmem:s17+$0x10490];
	v10 =	vsel vm2, v10, v15;
	v12 =	vadd.f32 v8, v21  }
0xbe: {  	v21 =	vld [tilespmem:s17+$0x4A0];
	v10 =	vsel vm3, v10, v11  }
0xbf: {  	v8 =	vmul.f32 v31, v5;
	v30 =	vld [tilespmem:s17+$0xC480];
	v12 =	vsel vm4, v10, v12  }
0xc0: {  	v11 =	vmul.f32 v26, v5;
	v10 =	vmul.f32 v19, v5;
	v32 =	vld [tilespmem:s17+$0xC490];
	[tilespmem:v33+s15+$0x0] =	vst.idx.msk $0x1f, v12  }
.Ltmp0:
0xc1: {  	v15 =	vmul.f32 v14, v7;
	v12 =	vmul.f32 v16, v5;
	v31 =	vld [tilespmem:s17+$0x480];
	(pc) =	sbr.rel @p0 .LBB2_2-.Ltmp0, $4  }
0xc2: {  	v14 =	vmul.f32 v18, v6;
	v16 =	vmul.f32 v23, v6;
	v33 =	vld [tilespmem:s17+$0x490]  }
0xc3: {  	v17 =	vmul.f32 v17, v9;
	v19 =	vmul.f32 v27, v9;
	v34 =	vld [tilespmem:s17+$0x8480]  }
0xc4: {  	v18 =	vmul.f32 v35, v7;
	v26 =	vmul.f32 v36, v13;
	v35 =	vld [tilespmem:s17+$0x8490]  }
0xc5: {  	s19 =	sadd.s32 $0x200, s19;
	v27 =	vmul.f32 v37, v13;
	v23 =	vmul.f32 v38, v13;
	v36 =	vld [tilespmem:s17+$0x4480]  }
0xc6: {  	v37 =	vld [tilespmem:s17+$0x4490];
	v22 =	vmul.f32 v22, v21;
	v20 =	vmul.f32 v20, v21  }
0xc7: {  	v38 =	vld [tilespmem:s17+$0xC4A0];
	v24 =	vmul.f32 v24, v31;
	v28 =	vmul.f32 v28, v31  }
0xc8: {  	v39 =	vld [tilespmem:s17+$0x44A0];
	v30 =	vmul.f32 v30, v31;
	v25 =	vmul.f32 v25, v33  }
0xc9: {  	v40 =	vld [tilespmem:s17+$0x84A0];
	v29 =	vmul.f32 v29, v33;
	v32 =	vmul.f32 v32, v33  }
0xca: {  	v41 =	vld [tilespmem:s17+$0x44B0];
	v34 =	vmul.f32 v34, v31;
	v35 =	vmul.f32 v35, v33  }
0xcb: {  	v55 =	vld [tilespmem:s17+$0x84B0];
	v24 =	vadd.f32 v25, v24;
	v31 =	vmul.f32 v36, v31;
	v54 =	vmul.f32 v37, v33  }
0xcc: {  	v25 =	vld [tilespmem:s17+$0x44C0];
	v30 =	vadd.f32 v32, v30;
	v28 =	vadd.f32 v29, v28;
	v56 =	vmul.f32 v38, v21  }
0xcd: {  	v58 =	vld [tilespmem:s17+$0x84C0];
	v57 =	vadd.f32 v35, v34;
	v29 =	vadd.f32 v54, v31;
	v31 =	vmul.f32 v39, v21  }
0xce: {  	v59 =	vld [tilespmem:s17+$0xC4C0];
	v22 =	vadd.f32 v22, v28;
	v20 =	vadd.f32 v20, v24;
	v21 =	vmul.f32 v40, v21  }
0xcf: {  	v28 =	vmul.f32 v41, v13;
	v30 =	vadd.f32 v56, v30;
	v24 =	vadd.f32 v31, v29;
	v29 =	vld [tilespmem:s17+$0x84D0]  }
0xd0: {  	v13 =	vmul.f32 v55, v13;
	v20 =	vadd.f32 v26, v20;
	v21 =	vadd.f32 v21, v57;
	v31 =	vld [tilespmem:s17+$0xC4D0]  }
0xd1: {  	v22 =	vadd.f32 v27, v22;
	v26 =	vld [tilespmem:s17+$0x104D0];
	v25 =	vmul.f32 v25, v9;
	v24 =	vadd.f32 v28, v24  }
0xd2: {  	v27 =	vld [tilespmem:s17+$0xC4E0];
	v23 =	vadd.f32 v23, v30;
	v13 =	vadd.f32 v13, v21;
	v21 =	vmul.f32 v58, v9  }
0xd3: {  	v19 =	vadd.f32 v19, v20;
	v9 =	vmul.f32 v59, v9;
	v24 =	vadd.f32 v25, v24;
	v25 =	vld [tilespmem:s17+$0x104E0]  }
0xd4: {  	v17 =	vadd.f32 v17, v22;
	v13 =	vadd.f32 v21, v13;
	v21 =	vld [tilespmem:s17+$0x144E0];
	v20 =	vmul.f32 v29, v7  }
0xd5: {  	v9 =	vadd.f32 v9, v23;
	v23 =	vld [tilespmem:s17+$0x104F0];
	v22 =	vmul.f32 v31, v7;
	v18 =	vadd.f32 v18, v24  }
0xd6: {  	v15 =	vadd.f32 v15, v19;
	v7 =	vmul.f32 v26, v7;
	v13 =	vadd.f32 v20, v13  }
0xd7: {  	v9 =	vadd.f32 v22, v9;
	v16 =	vadd.f32 v16, v18;
	v18 =	vmul.f32 v27, v6  }
0xd8: {  	v7 =	vadd.f32 v7, v17;
	v13 =	vadd.f32 v14, v13;
	v14 =	vmul.f32 v25, v6  }
0xd9: {  	v6 =	vmul.f32 v21, v6;
	v12 =	vadd.f32 v12, v16;
	v9 =	vadd.f32 v18, v9  }
0xda: {  	v5 =	vmul.f32 v23, v5;
	v11 =	vadd.f32 v11, v13;
	v7 =	vadd.f32 v14, v7  }
0xdb: {  	v6 =	vadd.f32 v6, v15;
	v13 =	vperm.xlane v12, v0;
	v9 =	vadd.f32 v10, v9  }
0xdc: {  	v10 =	vperm.xlane v11, v0;
	v5 =	vadd.f32 v5, v7  }
0xdd: {  	v6 =	vadd.f32 v8, v6;
	v7 =	vadd.f32 v12, v13;
	v12 =	vperm.xlane v9, v0  }
0xde: {  	v8 =	vadd.f32 v11, v10;
	v10 =	vperm.xlane v5, v0  }
0xdf: {  	v11 =	vperm.xlane v7, v1;
	v9 =	vadd.f32 v9, v12;
	v12 =	vperm.xlane v6, v0  }
0xe0: {  	v13 =	vperm.xlane v8, v1;
	v5 =	vadd.f32 v5, v10  }
0xe1: {  	v7 =	vadd.f32 v7, v11;
	v10 =	vperm.xlane v9, v1;
	v6 =	vadd.f32 v6, v12  }
0xe2: {  	v8 =	vadd.f32 v8, v13;
	v11 =	vperm.xlane v5, v1  }
0xe3: {  	v12 =	vperm.xlane v7, v2;
	v9 =	vadd.f32 v9, v10;
	v10 =	vperm.xlane v6, v1  }
0xe4: {  	v13 =	vperm.xlane v8, v2;
	v5 =	vadd.f32 v5, v11  }
0xe5: {  	v7 =	vadd.f32 v7, v12;
	v11 =	vperm.xlane v9, v2;
	v6 =	vadd.f32 v6, v10  }
0xe6: {  	v8 =	vadd.f32 v8, v13;
	v10 =	vperm.xlane v5, v2  }
0xe7: {  	v12 =	vperm.xlane v7, v3;
	v9 =	vadd.f32 v9, v11;
	v11 =	vperm.xlane v6, v2  }
0xe8: {  	s18 =	sadd.s32 $0x1, s18;
	v13 =	vperm.xlane v8, v3;
	v5 =	vadd.f32 v5, v10  }
0xe9: {  	s17 =	sshll.u32 s18, $0x7;
	v7 =	vadd.f32 v7, v12;
	v10 =	vperm.xlane v9, v3;
	v6 =	vadd.f32 v6, v11  }
0xea: {  	v12 =	vor.u32 s17, v4;
	v8 =	vadd.f32 v8, v13;
	v11 =	vperm.xlane v5, v3  }
0xeb: {  	v7 =	vnsel vm0, $0x0, v7;
	v9 =	vadd.f32 v9, v10;
	v10 =	vperm.xlane v6, v3  }
0xec: {  	v7 =	vsel vm1, v7, v8;
	v5 =	vadd.f32 v5, v11  }
0xed: {  	v7 =	vsel vm2, v7, v9;
	v6 =	vadd.f32 v6, v10  }
0xee: {  	v5 =	vsel vm3, v7, v5  }
0xef: {  	v5 =	vsel vm4, v5, v6  }
0xf0: {  	[tilespmem:v12+s15+$0x0] =	vst.idx.msk $0x1f, v5  }
0xf1: {  	_ =	swait.ge [sflag:s14], $0x2000  }
0xf2: {  	[sflag:s14] =	ssyncset.done $0x0  }
0xf3: {  	[sflag:s14] =	ssyncadd.s32 $0xFFFFE000  }
0xf4: {  	_ =	swait.ge [sflag:s14], $0x2000  }
0xf5: {  	[sflag:s14] =	ssyncset.done $0x0  }
0xf6: {  	[sflag:s14] =	ssyncadd.s32 $0xFFFFE000  }
0xf7: {  	_ =	swait.ge [sflag:s14], $0x2000  }
0xf8: {  	[sflag:s14] =	ssyncset.done $0x0  }
0xf9: {  	[sflag:s14] =	ssyncadd.s32 $0xFFFFE000  }
0xfa: {  	_ =	swait.ge [sflag:s14], $0x2000  }
0xfb: {  	[sflag:s14] =	ssyncset.done $0x0  }
0xfc: {  	[sflag:s14] =	ssyncadd.s32 $0xFFFFE000  }
0xfd: {  	_ =	swait.ge [sflag:s14], $0x2000  }
0xfe: {  	[sflag:s14] =	ssyncset.done $0x0  }
0xff: {  	[sflag:s14] =	ssyncadd.s32 $0xFFFFE000  }
0x100: {  	_ =	swait.ge [sflag:s14], $0x2000  }
0x101: {  	[sflag:s14] =	ssyncset.done $0x0  }
0x102: {  	s19 =	simm.s32 $0x0;
	[sflag:s14] =	ssyncadd.s32 $0xFFFFE000  }
0x103: {  	v7 =	vld [tilespmem:s19+$0x164F0]  }
0x104: {  	v5 =	vld [tilespmem:s19+$0xE4F0]  }
0x105: {  	v6 =	vld [tilespmem:s19+$0xA4F0]  }
0x106: {  	v8 =	vld [tilespmem:s19+$0x24F0]  }
0x107: {  	v9 =	vld [tilespmem:s19+$0x64F0]  }
0x108: {  	v10 =	vld [tilespmem:s19+$0x164D0]  }
0x109: {  	v11 =	vld [tilespmem:s19+$0xA4E0]  }
0x10a: {  	v12 =	vld [tilespmem:s19+$0x24E0]  }
0x10b: {  	v13 =	vld [tilespmem:s19+$0x64E0]  }
0x10c: {  	v14 =	vld [tilespmem:s19+$0x164C0]  }
0x10d: {  	v15 =	vld [tilespmem:s19+$0x124C0]  }
0x10e: {  	v16 =	vld [tilespmem:s19+$0x24D0]  }
0x10f: {  	v17 =	vld [tilespmem:s19+$0x64D0]  }
0x110: {  	v18 =	vld [tilespmem:s19+$0x164B0]  }
0x111: {  	v19 =	vld [tilespmem:s19+$0x124B0]  }
0x112: {  	v20 =	vld [tilespmem:s19+$0x24C0]  }
0x113: {  	v21 =	vld [tilespmem:s19+$0xE4B0]  }
0x114: {  	v22 =	vld [tilespmem:s19+$0x164A0]  }
0x115: {  	v23 =	vld [tilespmem:s19+$0x124A0]  }
0x116: {  	v24 =	vld [tilespmem:s19+$0x24B0]  }
0x117: {  	v25 =	vld [tilespmem:s19+$0x16480]  }
0x118: {  	v26 =	vld [tilespmem:s19+$0x16490]  }
0x119: {  	v27 =	vld [tilespmem:s19+$0x12480]  }
0x11a: {  	v28 =	vld [tilespmem:s19+$0x12490]  }
0x11b: {  	v29 =	vld [tilespmem:s19+$0x24A0]  }
0x11c: {  	v30 =	vld [tilespmem:s19+$0xE480]  }
0x11d: {  	v31 =	vld [tilespmem:s19+$0xE490]  }
0x11e: {  	v60 =	vld [tilespmem:s19+$0x2480]  }
0x11f: {  	v61 =	vld [tilespmem:s19+$0x2490]  }
0x120: {  	v62 =	vld [tilespmem:s19+$0xA480];
	v6 =	vmul.f32 v6, v8  }
0x121: {  	v44 =	vld [tilespmem:s19+$0x6480];
	v63 =	vmul.f32 v5, v8;
	v9 =	vmul.f32 v9, v8  }
0x122: {  	v45 =	vld [tilespmem:s19+$0x6490];
	v10 =	vmul.f32 v10, v16;
	v13 =	vmul.f32 v13, v12  }
0x123: {  	v46 =	vld [tilespmem:s19+$0xE4A0];
	v11 =	vmul.f32 v11, v12;
	v15 =	vmul.f32 v15, v20  }
0x124: {  	v47 =	vld [tilespmem:s19+$0x64A0];
	v14 =	vmul.f32 v14, v20;
	v25 =	vmul.f32 v25, v60  }
0x125: {  	v48 =	vld [tilespmem:s19+$0xA4A0];
	v26 =	vmul.f32 v26, v61;
	v27 =	vmul.f32 v27, v60  }
0x126: {  	v49 =	vld [tilespmem:s19+$0x64B0];
	v28 =	vmul.f32 v28, v61;
	v30 =	vmul.f32 v30, v60  }
0x127: {  	v5 =	vld [tilespmem:s19+$0xA490];
	v31 =	vmul.f32 v31, v61;
	v34 =	vmul.f32 v62, v60  }
0x128: {  	v50 =	vld [tilespmem:s19+$0xA4B0];
	v32 =	vmul.f32 v44, v60;
	v33 =	vmul.f32 v45, v61  }
0x129: {  	v51 =	vld [tilespmem:s19+$0x64C0];
	v18 =	vmul.f32 v18, v24;
	v21 =	vmul.f32 v21, v24  }
0x12a: {  	v53 =	vld [tilespmem:s19+$0xE4D0];
	v19 =	vmul.f32 v19, v24;
	v23 =	vmul.f32 v23, v29  }
0x12b: {  	s17 =	simm.s32 $0x80;
	v55 =	vld [tilespmem:s19+$0xE4E0];
	v22 =	vmul.f32 v22, v29;
	v38 =	vmul.f32 v46, v29;
	v27 =	vadd.f32 v28, v27  }
0x12c: {  	v56 =	vld [tilespmem:s17+$0x64F0];
	v25 =	vadd.f32 v26, v25;
	v30 =	vadd.f32 v31, v30;
	v5 =	vmul.f32 v5, v61  }
0x12d: {  	v52 =	vmul.f32 v47, v29;
	v26 =	vld [tilespmem:s19+$0xA4C0];
	v32 =	vadd.f32 v33, v32;
	v23 =	vadd.f32 v23, v27  }
0x12e: {  	v29 =	vmul.f32 v48, v29;
	v31 =	vld [tilespmem:s19+$0xE4C0];
	v22 =	vadd.f32 v22, v25;
	v5 =	vadd.f32 v5, v34  }
0x12f: {  	v54 =	vmul.f32 v49, v24;
	v28 =	vld [tilespmem:s19+$0xA4D0];
	v27 =	vadd.f32 v52, v32;
	v30 =	vadd.f32 v38, v30  }
0x130: {  	v57 =	vld [tilespmem:s17+$0x164D0];
	v24 =	vmul.f32 v50, v24;
	v18 =	vadd.f32 v18, v22;
	v5 =	vadd.f32 v29, v5  }
0x131: {  	v58 =	vld [tilespmem:s17+$0x64D0];
	v27 =	vadd.f32 v54, v27;
	v19 =	vadd.f32 v19, v23;
	v29 =	vmul.f32 v51, v20  }
0x132: {  	v25 =	vld [tilespmem:s19+$0x124D0];
	v21 =	vadd.f32 v21, v30;
	v5 =	vadd.f32 v24, v5;
	v24 =	vmul.f32 v26, v20  }
0x133: {  	v59 =	vld [tilespmem:s17+$0x164B0];
	v17 =	vmul.f32 v17, v16;
	v14 =	vadd.f32 v14, v18;
	v27 =	vadd.f32 v29, v27  }
0x134: {  	v22 =	vld [tilespmem:s19+$0x124E0];
	v20 =	vmul.f32 v31, v20;
	v5 =	vadd.f32 v24, v5;
	v24 =	vmul.f32 v28, v16  }
0x135: {  	v7 =	vmul.f32 v7, v8;
	v23 =	vld [tilespmem:s19+$0x164E0];
	v15 =	vadd.f32 v15, v19;
	v17 =	vadd.f32 v17, v27  }
0x136: {  	v26 =	vld [tilespmem:s19+$0x124F0];
	v20 =	vadd.f32 v20, v21;
	v21 =	vmul.f32 v53, v16;
	v24 =	vadd.f32 v24, v5  }
0x137: {  	v35 =	vld [tilespmem:s17+$0xA490];
	v10 =	vadd.f32 v10, v14;
	v16 =	vmul.f32 v25, v16;
	v13 =	vadd.f32 v13, v17  }
0x138: {  	v36 =	vld [tilespmem:s17+$0x6480];
	v14 =	vadd.f32 v21, v20;
	v17 =	vmul.f32 v55, v12;
	v11 =	vadd.f32 v11, v24  }
0x139: {  	v60 =	vld [tilespmem:s17+$0x124B0];
	v15 =	vadd.f32 v16, v15;
	v16 =	vmul.f32 v22, v12;
	v9 =	vadd.f32 v9, v13  }
0x13a: {  	v33 =	vld [tilespmem:s17+$0x2490];
	v12 =	vmul.f32 v23, v12;
	v13 =	vadd.f32 v17, v14;
	v11 =	vadd.f32 v6, v11  }
0x13b: {  	v32 =	vld [tilespmem:s17+$0xE490];
	v15 =	vadd.f32 v16, v15;
	v16 =	vmul.f32 v26, v8;
	v8 =	vperm.xlane v9, v0  }
0x13c: {  	v61 =	vld [tilespmem:s17+$0xE4B0];
	v10 =	vadd.f32 v12, v10;
	v13 =	vadd.f32 v63, v13;
	v12 =	vperm.xlane v11, v0  }
0x13d: {  	v18 =	vld [tilespmem:s17+$0x164F0];
	v15 =	vadd.f32 v16, v15;
	v8 =	vadd.f32 v9, v8  }
0x13e: {  	v19 =	vld [tilespmem:s17+$0xE4F0];
	v10 =	vadd.f32 v7, v10;
	v9 =	vperm.xlane v13, v0;
	v11 =	vadd.f32 v11, v12  }
0x13f: {  	v27 =	vld [tilespmem:s17+$0xA4F0];
	v12 =	vperm.xlane v15, v0;
	v16 =	vperm.xlane v8, v1  }
0x140: {  	v25 =	vld [tilespmem:s17+$0x16490];
	v13 =	vadd.f32 v13, v9;
	v9 =	vperm.xlane v10, v0;
	v20 =	vperm.xlane v11, v1  }
0x141: {  	v5 =	vld [tilespmem:s17+$0x24F0];
	v12 =	vadd.f32 v15, v12;
	v8 =	vadd.f32 v8, v16  }
0x142: {  	v23 =	vld [tilespmem:s17+$0x164C0];
	v15 =	vperm.xlane v13, v1;
	v10 =	vadd.f32 v10, v9;
	v11 =	vadd.f32 v11, v20  }
0x143: {  	v22 =	vld [tilespmem:s17+$0x124A0];
	v16 =	vperm.xlane v12, v1;
	v21 =	vperm.xlane v8, v2  }
0x144: {  	v14 =	vld [tilespmem:s17+$0xA4E0];
	v15 =	vadd.f32 v13, v15;
	v13 =	vperm.xlane v10, v1;
	v24 =	vperm.xlane v11, v2  }
0x145: {  	v17 =	vld [tilespmem:s17+$0x64E0];
	v12 =	vadd.f32 v12, v16;
	v8 =	vadd.f32 v8, v21  }
0x146: {  	v6 =	vld [tilespmem:s17+$0x24E0];
	v16 =	vperm.xlane v15, v2;
	v10 =	vadd.f32 v10, v13;
	v11 =	vadd.f32 v11, v24  }
0x147: {  	v26 =	vld [tilespmem:s17+$0x124C0];
	v21 =	vperm.xlane v12, v2;
	v28 =	vperm.xlane v8, v3  }
0x148: {  	s20 =	simm.s32 $0x2000;
	v7 =	vld [tilespmem:s17+$0x24D0];
	v15 =	vadd.f32 v15, v16;
	v16 =	vperm.xlane v10, v2;
	v29 =	vperm.xlane v11, v3  }
0x149: {  	v62 =	vor.u32 s20, v4;
	v9 =	vld [tilespmem:s17+$0x24C0];
	v12 =	vadd.f32 v12, v21;
	v8 =	vadd.f32 v8, v28  }
0x14a: {  	v20 =	vld [tilespmem:s17+$0x164A0];
	v21 =	vperm.xlane v15, v3;
	v16 =	vadd.f32 v10, v16;
	v10 =	vadd.f32 v11, v29  }
0x14b: {  	v14 =	vmul.f32 v14, v6;
	v13 =	vld [tilespmem:s17+$0x24B0];
	v11 =	vperm.xlane v12, v3;
	v8 =	vnsel vm0, $0x0, v8  }
0x14c: {  	v24 =	vld [tilespmem:s17+$0x16480];
	v15 =	vadd.f32 v15, v21;
	v63 =	vperm.xlane v16, v3;
	v31 =	vsel vm1, v8, v10  }
0x14d: {  	v28 =	vld [tilespmem:s17+$0x12480];
	v8 =	vmul.f32 v18, v5;
	v18 =	vadd.f32 v12, v11;
	v11 =	vmul.f32 v27, v5  }
0x14e: {  	v21 =	vld [tilespmem:s17+$0x24A0];
	v10 =	vmul.f32 v19, v5;
	v12 =	vmul.f32 v56, v5;
	v27 =	vadd.f32 v16, v63  }
0x14f: {  	v16 =	vmul.f32 v17, v6;
	v17 =	vmul.f32 v26, v9;
	v19 =	vsel vm2, v31, v15;
	v31 =	vld [tilespmem:s17+$0x2480]  }
0x150: {  	v29 =	vld [tilespmem:s17+$0x12490];
	v26 =	vmul.f32 v59, v13;
	v15 =	vmul.f32 v57, v7;
	v18 =	vsel vm3, v19, v18  }
0x151: {  	v30 =	vld [tilespmem:s17+$0xE480];
	v19 =	vmul.f32 v23, v9;
	v23 =	vsel vm4, v18, v27;
	v18 =	vmul.f32 v58, v7  }
0x152: {  	s18 =	simm.s32 $0x40;
	v34 =	vld [tilespmem:s17+$0xA480];
	s19 =	simm.s32 $0x400;
	v27 =	vmul.f32 v60, v13;
	[tilespmem:v62+s15+$0x0] =	vst.idx.msk $0x1f, v23;
	v23 =	vmul.f32 v61, v13  }
.LBB2_4:
0x153: {  	p0 =	sne.s32 s19, $0x7E00;
	v37 =	vld [tilespmem:s17+$0x6490];
	v22 =	vmul.f32 v22, v21;
	v20 =	vmul.f32 v20, v21  }
0x154: {  	v24 =	vmul.f32 v24, v31;
	v38 =	vld [tilespmem:s17+$0xE4A0];
	v25 =	vmul.f32 v25, v33  }
0x155: {  	v28 =	vmul.f32 v28, v31;
	v29 =	vmul.f32 v29, v33;
	v39 =	vld [tilespmem:s17+$0x64A0]  }
0x156: {  	v30 =	vmul.f32 v30, v31;
	v32 =	vmul.f32 v32, v33;
	v40 =	vld [tilespmem:s17+$0xA4A0]  }
0x157: {  	v34 =	vmul.f32 v34, v31;
	v35 =	vmul.f32 v35, v33;
	v41 =	vld [tilespmem:s17+$0x64B0]  }
0x158: {  	v24 =	vadd.f32 v25, v24;
	v31 =	vmul.f32 v36, v31;
	v33 =	vmul.f32 v37, v33;
	v36 =	vld [tilespmem:s17+$0xA4B0]  }
0x159: {  	v30 =	vadd.f32 v32, v30;
	v28 =	vadd.f32 v29, v28;
	v25 =	vld [tilespmem:s17+$0x64C0];
	v32 =	vmul.f32 v38, v21  }
0x15a: {  	v29 =	vadd.f32 v33, v31;
	v31 =	vmul.f32 v39, v21;
	v33 =	vadd.f32 v35, v34;
	v34 =	vld [tilespmem:s17+$0xA4C0]  }
0x15b: {  	v22 =	vadd.f32 v22, v28;
	v20 =	vadd.f32 v20, v24;
	v21 =	vmul.f32 v40, v21;
	v35 =	vld [tilespmem:s17+$0xE4C0]  }
0x15c: {  	v30 =	vadd.f32 v32, v30;
	v24 =	vadd.f32 v31, v29;
	v28 =	vmul.f32 v41, v13;
	v29 =	vld [tilespmem:s17+$0xA4D0]  }
0x15d: {  	v20 =	vadd.f32 v26, v20;
	v21 =	vadd.f32 v21, v33;
	v13 =	vmul.f32 v36, v13;
	v31 =	vld [tilespmem:s17+$0xE4D0]  }
0x15e: {  	v22 =	vadd.f32 v27, v22;
	v24 =	vadd.f32 v28, v24;
	v25 =	vmul.f32 v25, v9;
	v26 =	vld [tilespmem:s17+$0x124D0]  }
0x15f: {  	v23 =	vadd.f32 v23, v30;
	v13 =	vadd.f32 v13, v21;
	v21 =	vmul.f32 v34, v9;
	v27 =	vld [tilespmem:s17+$0xE4E0]  }
0x160: {  	v19 =	vadd.f32 v19, v20;
	v24 =	vadd.f32 v25, v24;
	v9 =	vmul.f32 v35, v9;
	v25 =	vld [tilespmem:s17+$0x124E0]  }
0x161: {  	v17 =	vadd.f32 v17, v22;
	v13 =	vadd.f32 v21, v13;
	v20 =	vmul.f32 v29, v7;
	v21 =	vld [tilespmem:s17+$0x164E0]  }
0x162: {  	v18 =	vadd.f32 v18, v24;
	v9 =	vadd.f32 v9, v23;
	v22 =	vmul.f32 v31, v7;
	v23 =	vld [tilespmem:s17+$0x124F0];
	s17 =	sshra.s32 s19, $0x2  }
0x163: {  	v15 =	vadd.f32 v15, v19;
	v31 =	vld [tilespmem:s17+$0x164F0];
	v13 =	vadd.f32 v20, v13;
	v7 =	vmul.f32 v26, v7  }
0x164: {  	v19 =	vld [tilespmem:s17+$0xE4F0];
	v16 =	vadd.f32 v16, v18;
	v9 =	vadd.f32 v22, v9;
	v18 =	vmul.f32 v27, v6  }
0x165: {  	v26 =	vld [tilespmem:s17+$0xA4F0];
	v13 =	vadd.f32 v14, v13;
	v7 =	vadd.f32 v7, v17;
	v14 =	vmul.f32 v25, v6  }
0x166: {  	v17 =	vld [tilespmem:s17+$0x24F0];
	v12 =	vadd.f32 v12, v16;
	v9 =	vadd.f32 v18, v9;
	v6 =	vmul.f32 v21, v6  }
0x167: {  	v16 =	vld [tilespmem:s17+$0x64F0];
	v11 =	vadd.f32 v11, v13;
	v7 =	vadd.f32 v14, v7;
	v5 =	vmul.f32 v23, v5  }
0x168: {  	v14 =	vld [tilespmem:s17+$0x164D0];
	v13 =	vperm.xlane v12, v0;
	v9 =	vadd.f32 v10, v9;
	v10 =	vadd.f32 v6, v15  }
0x169: {  	v18 =	vld [tilespmem:s17+$0xA4E0];
	v15 =	vperm.xlane v11, v0;
	v7 =	vadd.f32 v5, v7  }
0x16a: {  	v6 =	vld [tilespmem:s17+$0x24E0];
	v12 =	vadd.f32 v12, v13;
	v13 =	vperm.xlane v9, v0;
	v8 =	vadd.f32 v8, v10  }
0x16b: {  	v23 =	vld [tilespmem:s17+$0x64E0];
	v10 =	vadd.f32 v11, v15;
	v11 =	vperm.xlane v7, v0;
	v5 =	vmov v17  }
0x16c: {  	v27 =	vld [tilespmem:s17+$0x164C0];
	v15 =	vperm.xlane v12, v1;
	v9 =	vadd.f32 v9, v13;
	v13 =	vperm.xlane v8, v0  }
0x16d: {  	v17 =	vld [tilespmem:s17+$0x124C0];
	v20 =	vperm.xlane v10, v1;
	v11 =	vadd.f32 v7, v11  }
0x16e: {  	v7 =	vld [tilespmem:s17+$0x24D0];
	v12 =	vadd.f32 v12, v15;
	v15 =	vperm.xlane v9, v1;
	v8 =	vadd.f32 v8, v13  }
0x16f: {  	v35 =	vld [tilespmem:s17+$0x64D0];
	v10 =	vadd.f32 v10, v20;
	v13 =	vperm.xlane v11, v1  }
0x170: {  	v36 =	vld [tilespmem:s17+$0x164B0];
	v20 =	vperm.xlane v12, v2;
	v15 =	vadd.f32 v9, v15;
	v21 =	vperm.xlane v8, v1  }
0x171: {  	v37 =	vld [tilespmem:s17+$0x124B0];
	v22 =	vperm.xlane v10, v2;
	v11 =	vadd.f32 v11, v13  }
0x172: {  	v9 =	vld [tilespmem:s17+$0x24C0];
	v12 =	vadd.f32 v12, v20;
	v13 =	vperm.xlane v15, v2;
	v8 =	vadd.f32 v8, v21  }
0x173: {  	v38 =	vld [tilespmem:s17+$0xE4B0];
	v10 =	vadd.f32 v10, v22;
	v21 =	vperm.xlane v11, v2  }
0x174: {  	v20 =	vld [tilespmem:s17+$0x164A0];
	v24 =	vperm.xlane v12, v3;
	v15 =	vadd.f32 v15, v13;
	v25 =	vperm.xlane v8, v2  }
0x175: {  	s18 =	sadd.s32 $0x1, s18;
	v22 =	vld [tilespmem:s17+$0x124A0];
	v28 =	vperm.xlane v10, v3;
	v11 =	vadd.f32 v11, v21  }
0x176: {  	s20 =	sshll.u32 s18, $0x7;
	v13 =	vld [tilespmem:s17+$0x24B0];
	v12 =	vadd.f32 v12, v24;
	v21 =	vperm.xlane v15, v3;
	v8 =	vadd.f32 v8, v25  }
0x177: {  	v33 =	vor.u32 s20, v4;
	v24 =	vld [tilespmem:s17+$0x16480];
	v10 =	vadd.f32 v10, v28;
	v29 =	vperm.xlane v11, v3  }
0x178: {  	v25 =	vld [tilespmem:s17+$0x16490];
	v12 =	vnsel vm0, $0x0, v12;
	v15 =	vadd.f32 v15, v21;
	v21 =	vperm.xlane v8, v3  }
0x179: {  	v28 =	vld [tilespmem:s17+$0x12480];
	v10 =	vsel vm1, v12, v10;
	v11 =	vadd.f32 v11, v29  }
0x17a: {  	v29 =	vld [tilespmem:s17+$0x12490];
	v10 =	vsel vm2, v10, v15;
	v12 =	vadd.f32 v8, v21  }
0x17b: {  	v21 =	vld [tilespmem:s17+$0x24A0];
	v10 =	vsel vm3, v10, v11  }
0x17c: {  	v8 =	vmul.f32 v31, v5;
	v30 =	vld [tilespmem:s17+$0xE480];
	v12 =	vsel vm4, v10, v12  }
0x17d: {  	v11 =	vmul.f32 v26, v5;
	v10 =	vmul.f32 v19, v5;
	v32 =	vld [tilespmem:s17+$0xE490];
	[tilespmem:v33+s15+$0x0] =	vst.idx.msk $0x1f, v12  }
.Ltmp1:
0x17e: {  	v15 =	vmul.f32 v14, v7;
	v12 =	vmul.f32 v16, v5;
	v31 =	vld [tilespmem:s17+$0x2480];
	(pc) =	sbr.rel @p0 .LBB2_4-.Ltmp1, $4  }
0x17f: {  	v14 =	vmul.f32 v18, v6;
	v16 =	vmul.f32 v23, v6;
	v33 =	vld [tilespmem:s17+$0x2490]  }
0x180: {  	v17 =	vmul.f32 v17, v9;
	v19 =	vmul.f32 v27, v9;
	v34 =	vld [tilespmem:s17+$0xA480]  }
0x181: {  	v18 =	vmul.f32 v35, v7;
	v26 =	vmul.f32 v36, v13;
	v35 =	vld [tilespmem:s17+$0xA490]  }
0x182: {  	s19 =	sadd.s32 $0x200, s19;
	v27 =	vmul.f32 v37, v13;
	v23 =	vmul.f32 v38, v13;
	v36 =	vld [tilespmem:s17+$0x6480]  }
0x183: {  	v37 =	vld [tilespmem:s17+$0x6490];
	v22 =	vmul.f32 v22, v21;
	v20 =	vmul.f32 v20, v21  }
0x184: {  	v38 =	vld [tilespmem:s17+$0xE4A0];
	v24 =	vmul.f32 v24, v31;
	v28 =	vmul.f32 v28, v31  }
0x185: {  	v39 =	vld [tilespmem:s17+$0x64A0];
	v30 =	vmul.f32 v30, v31;
	v25 =	vmul.f32 v25, v33  }
0x186: {  	v40 =	vld [tilespmem:s17+$0xA4A0];
	v29 =	vmul.f32 v29, v33;
	v32 =	vmul.f32 v32, v33  }
0x187: {  	v41 =	vld [tilespmem:s17+$0x64B0];
	v34 =	vmul.f32 v34, v31;
	v35 =	vmul.f32 v35, v33  }
0x188: {  	v50 =	vld [tilespmem:s17+$0xA4B0];
	v24 =	vadd.f32 v25, v24;
	v48 =	vmul.f32 v36, v31;
	v49 =	vmul.f32 v37, v33  }
0x189: {  	v51 =	vld [tilespmem:s17+$0x64C0];
	v30 =	vadd.f32 v32, v30;
	v28 =	vadd.f32 v29, v28;
	v52 =	vmul.f32 v38, v21  }
0x18a: {  	v56 =	vld [tilespmem:s17+$0xA4C0];
	v54 =	vmul.f32 v39, v21;
	v55 =	vadd.f32 v35, v34;
	v53 =	vadd.f32 v49, v48  }
0x18b: {  	v58 =	vld [tilespmem:s17+$0xE4C0];
	v57 =	vmul.f32 v40, v21;
	v22 =	vadd.f32 v22, v28;
	v20 =	vadd.f32 v20, v24  }
0x18c: {  	v61 =	vld [tilespmem:s17+$0xA4D0];
	v60 =	vmul.f32 v41, v13;
	v30 =	vadd.f32 v52, v30;
	v59 =	vadd.f32 v54, v53  }
0x18d: {  	v63 =	vld [tilespmem:s17+$0xE4D0];
	v62 =	vmul.f32 v50, v13;
	v21 =	vadd.f32 v57, v55;
	v20 =	vadd.f32 v26, v20  }
0x18e: {  	v25 =	vmul.f32 v51, v9;
	v33 =	vld [tilespmem:s17+$0x124D0];
	v22 =	vadd.f32 v27, v22;
	v24 =	vadd.f32 v60, v59  }
0x18f: {  	v36 =	vld [tilespmem:s17+$0xE4E0];
	v34 =	vmul.f32 v56, v9;
	v13 =	vadd.f32 v62, v21;
	v23 =	vadd.f32 v23, v30  }
0x190: {  	v37 =	vmul.f32 v58, v9;
	v38 =	vld [tilespmem:s17+$0x124E0];
	v19 =	vadd.f32 v19, v20;
	v24 =	vadd.f32 v25, v24  }
0x191: {  	v39 =	vmul.f32 v61, v7;
	v40 =	vld [tilespmem:s17+$0x164E0];
	v17 =	vadd.f32 v17, v22;
	v13 =	vadd.f32 v34, v13  }
0x192: {  	v42 =	vld [tilespmem:s17+$0x124F0];
	v41 =	vmul.f32 v63, v7;
	v9 =	vadd.f32 v37, v23;
	v18 =	vadd.f32 v18, v24  }
0x193: {  	v7 =	vmul.f32 v33, v7;
	v15 =	vadd.f32 v15, v19;
	v13 =	vadd.f32 v39, v13  }
0x194: {  	v43 =	vmul.f32 v36, v6;
	v9 =	vadd.f32 v41, v9;
	v16 =	vadd.f32 v16, v18  }
0x195: {  	v44 =	vmul.f32 v38, v6;
	v7 =	vadd.f32 v7, v17;
	v13 =	vadd.f32 v14, v13  }
0x196: {  	v6 =	vmul.f32 v40, v6;
	v9 =	vadd.f32 v43, v9;
	v12 =	vadd.f32 v12, v16  }
0x197: {  	v5 =	vmul.f32 v42, v5;
	v7 =	vadd.f32 v44, v7;
	v11 =	vadd.f32 v11, v13  }
0x198: {  	v6 =	vadd.f32 v6, v15;
	v9 =	vadd.f32 v10, v9;
	v45 =	vperm.xlane v12, v0  }
0x199: {  	v5 =	vadd.f32 v5, v7;
	v46 =	vperm.xlane v11, v0  }
0x19a: {  	v6 =	vadd.f32 v8, v6;
	v47 =	vperm.xlane v9, v0;
	v7 =	vadd.f32 v12, v45  }
0x19b: {  	v49 =	vperm.xlane v5, v0;
	v48 =	vadd.f32 v11, v46  }
0x19c: {  	v51 =	vperm.xlane v6, v0;
	v9 =	vadd.f32 v9, v47;
	v50 =	vperm.xlane v7, v1  }
0x19d: {  	v5 =	vadd.f32 v5, v49;
	v52 =	vperm.xlane v48, v1  }
0x19e: {  	v6 =	vadd.f32 v6, v51;
	v53 =	vperm.xlane v9, v1;
	v7 =	vadd.f32 v7, v50  }
0x19f: {  	v54 =	vperm.xlane v5, v1;
	v8 =	vadd.f32 v48, v52  }
0x1a0: {  	v56 =	vperm.xlane v6, v1;
	v9 =	vadd.f32 v9, v53;
	v55 =	vperm.xlane v7, v2  }
0x1a1: {  	v5 =	vadd.f32 v5, v54;
	v13 =	vperm.xlane v8, v2  }
0x1a2: {  	v6 =	vadd.f32 v6, v56;
	v57 =	vperm.xlane v9, v2;
	v7 =	vadd.f32 v7, v55  }
0x1a3: {  	v58 =	vperm.xlane v5, v2;
	v8 =	vadd.f32 v8, v13  }
0x1a4: {  	v59 =	vperm.xlane v6, v2;
	v9 =	vadd.f32 v9, v57;
	v12 =	vperm.xlane v7, v3  }
0x1a5: {  	s20 =	sadd.s32 $0x1, s18;
	v5 =	vadd.f32 v5, v58;
	v13 =	vperm.xlane v8, v3  }
0x1a6: {  	s17 =	sshll.u32 s20, $0x7;
	v6 =	vadd.f32 v6, v59;
	v60 =	vperm.xlane v9, v3;
	v7 =	vadd.f32 v7, v12  }
0x1a7: {  	v62 =	vor.u32 s17, v4;
	v61 =	vperm.xlane v5, v3;
	v8 =	vadd.f32 v8, v13  }
0x1a8: {  	v63 =	vperm.xlane v6, v3;
	v9 =	vadd.f32 v9, v60;
	v7 =	vnsel vm0, $0x0, v7  }
0x1a9: {  	v5 =	vadd.f32 v5, v61;
	v7 =	vsel vm1, v7, v8  }
0x1aa: {  	v6 =	vadd.f32 v6, v63;
	v7 =	vsel vm2, v7, v9  }
0x1ab: {  	s16 =	sadd.s32 $0x1, s16;
	v5 =	vsel vm3, v7, v5  }
0x1ac: {  	p0 =	sne.s32 s16, s8;
	v5 =	vsel vm4, v5, v6  }
.Ltmp2:
0x1ad: {  	[tilespmem:v62+s15+$0x0] =	vst.idx.msk $0x1f, v5;
	(pc) =	sbr.rel @p0 .LBB2_1-.Ltmp2, $4  }
0x1ae: {  	[hbm4b:s7+s4] =	stream.linear.scatter [tilespmem:s15], [sflag:$0x2], $0x4000, $0x38;
	[tilespmem:$0x1C480] =	vst v63  }
0x1af: {  	_ =	swait.ge [sflag:s9], $0x4000  }
0x1b0: {  	[sflag:s9] =	ssyncset.done $0x0  }
0x1b1: {  	[sflag:s9] =	ssyncadd.s32 $0xFFFFC000  }
0x1b2: {  	_ =	sfence.sel $0x180000  }
0x1b3: {  	[bflag:$0x0] =	sbarrier.arrive $0xFFFF  }
0x1b4: {  	_ =	strace $0x90000047  }
0x1b5: {  	s0 =	stileid.u32;
	[bflag:$0x2] =	sbarrier.arrive $0xFFFF  }
0x1b6: {  	p0 =	sne.s32 s0, $0x0;
	s0 =	rddreg [dreg:$0x5]  }
0x1b7: {  	s0 =	sadd.s32 @!p0 $0x100000, s0  }
0x1b8: {  	[sflag:s0] =	ssyncadd.tile.s32 @!p0 $0x1;
	_ =	shalt  }
.Lfunc_end2:
_tile_overlayer_lowered:
.L_overlay_start_2:
0x1b9: {  	(tag) =	ssettag $0x2  }
0x1ba: {  	s0 =	rddreg [dreg:$0x0];
	s2 =	stileid.u32  }
0x1bb: {  	s1 =	rddreg [dreg:$0x1];
	p0 =	sne.s32 s2, $0x0  }
0x1bc: {  	s3 =	rddreg [dreg:$0x2];
	[bflag:$0x3] =	sbarrier.arrive $0xFFFF;
	s2 =	simm.s32 @!p0 $0x1C02  }
0x1bd: {  	[timem:s3], [sflag:s2] =	dma.local @!p0 [hbm:s0], s1  }
0x1be: {  	s0 =	simm.s32 @!p0 $0x2  }
0x1bf: {  	_ =	swait.ge @!p0 [sflag:s0], s1  }
0x1c0: {  	s1 =	ssub.s32 @!p0 $0x0, s1;
	[sflag:s0] =	ssyncset.done @!p0 $0x0  }
0x1c1: {  	[sflag:s0] =	ssyncadd.s32 @!p0 s1  }
0x1c2: {  	[bflag:$0x3] =	sbarrier.arrive $0xFFFF  }
0x1c3: {  	_ =	shalt  }

</sc_bundles>
